<compile_context>
chip_gen: v7x
topology: tpu7x:2x2x1
jax: 0.10.2.dev20260603
libtpu: 0.0.44.dev20260713+nightly
codegen_flags: <defaults>
</compile_context>

<pallas_src>
import dataclasses
import functools

import jax
import jax.numpy as jnp
from jax import lax
from jax.experimental import pallas as pl
from jax.experimental.pallas import tpu as pltpu
from jax.experimental.pallas import tpu_sc as plsc

NUM_EMOTIONS = 1000
EMO_DIM = 64
_PITCH = EMO_DIM + 1
BATCH = 16384

_NC = 2
_NS = 16
_L = 16
_NW = _NC * _NS
_BPW = BATCH // _NW
_JPW = _BPW // 128
_TD = EMO_DIM // 8

_mesh = plsc.VectorSubcoreMesh(core_axis_name="c", subcore_axis_name="s")

_cp = pltpu.CompilerParams()
if "needs_layout_passes" in pltpu.CompilerParams.__dataclass_fields__:
    _cp = dataclasses.replace(_cp, needs_layout_passes=False)
if "use_tc_tiling_on_sc" in pltpu.CompilerParams.__dataclass_fields__:
    _cp = dataclasses.replace(_cp, use_tc_tiling_on_sc=False)


@jax.jit
def _emotion_encode(emo_id, strength, table_flat):
    @functools.partial(
        pl.kernel,
        out_type=jax.ShapeDtypeStruct((BATCH // 2, 2 * EMO_DIM), jnp.float32),
        mesh=_mesh,
        compiler_params=_cp,
        scratch_types=[
            pltpu.VMEM_SHARED((NUM_EMOTIONS * _PITCH,), jnp.float32),
            pltpu.VMEM((NUM_EMOTIONS * _PITCH,), jnp.float32),
            pltpu.VMEM((_BPW,), jnp.int32),
            pltpu.VMEM((_BPW,), jnp.float32),
        ]
        + [pltpu.VMEM((EMO_DIM, 128), jnp.float32) for _ in range(2)]
        + [pltpu.SemaphoreType.DMA, pltpu.SemaphoreType.DMA],
    )
    def k(emo_hbm, str_hbm, tab_hbm, out_hbm, tab_s, tab_v, idx_v, str_v,
          t0, t1, sem_t, sem_o):
        sid = lax.axis_index("s")
        wid = sid * _NC + lax.axis_index("c")
        base = wid * _BPW

        @pl.when(sid == 0)
        def _():
            pltpu.sync_copy(tab_hbm, tab_s)

        pltpu.sync_copy(emo_hbm.at[pl.ds(base, _BPW)], idx_v)
        pltpu.sync_copy(str_hbm.at[pl.ds(base, _BPW)], str_v)
        plsc.subcore_barrier()
        pltpu.sync_copy(tab_s, tab_v)

        @pl.loop(0, _JPW // 2)
        def _(p):
            for half, trows_v in enumerate((t0, t1)):
                jl = 2 * p + half

                @pl.when(p > 0)
                def _(trows_v=trows_v):
                    for i in range(_TD):
                        pltpu.make_async_copy(
                            trows_v.at[pl.ds(8 * i, 8)],
                            out_hbm.at[pl.ds(i * 1024, 8)],
                            sem_o,
                        ).wait()

                @plsc.parallel_loop(0, 128 // _L)
                def _(bg, jl=jl, trows_v=trows_v):
                    o = jl * 128 + bg * _L
                    e = idx_v[pl.ds(o, _L)]
                    s = str_v[pl.ds(o, _L)]
                    ebase = e * _PITCH

                    @plsc.parallel_loop(0, EMO_DIM, unroll=8)
                    def _(d):
                        v = plsc.load_gather(tab_v, [ebase + d])
                        trows_v[d, pl.ds(bg * _L, _L)] = v * s

                jg = wid * _JPW + jl
                for i in range(_TD):
                    pltpu.async_copy(
                        trows_v.at[pl.ds(8 * i, 8)],
                        out_hbm.at[pl.ds((i * 128 + jg) * 8, 8)],
                        sem_o,
                    )

        for trows_v in (t0, t1):
            for i in range(_TD):
                pltpu.make_async_copy(
                    trows_v.at[pl.ds(8 * i, 8)],
                    out_hbm.at[pl.ds(i * 1024, 8)],
                    sem_o,
                ).wait()

    return k(emo_id, strength, table_flat)


def kernel(emo_id, strength, table):
    tab65 = jnp.pad(table, ((0, 0), (0, _PITCH - EMO_DIM))).reshape(-1)
    w = _emotion_encode(emo_id.astype(jnp.int32), strength, tab65)
    return (
        w.reshape(_TD, 128, 8, 128)
        .transpose(1, 3, 0, 2)
        .reshape(BATCH, EMO_DIM)
    )

# --- scband reference (transcript-rebuilt; emitter-appended) ---
"""Pipeline reference for scband-emotion-encoder-90426241450431 (READ-ONLY COPY).

The authoritative reference and input builder live on the scoring server;
editing this copy changes nothing except your own understanding.
"""

import jax, jax.numpy as jnp
import numpy as np

NUM_EMOTIONS = 1000
EMO_DIM = 64
BATCH = 16384


def setup_inputs(seed: int = 0) -> dict:
    key = jax.random.key(seed)
    k_id, k_str, k_tab = jax.random.split(key, 3)
    emo_id = jax.random.randint(k_id, (BATCH,), 0, NUM_EMOTIONS, dtype=jnp.int64 if jax.config.jax_enable_x64 else jnp.int32)
    strength = jax.random.uniform(k_str, (BATCH,), dtype=jnp.float32)
    table = jax.random.normal(k_tab, (NUM_EMOTIONS, EMO_DIM), dtype=jnp.float32)
    return {"emo_id": emo_id, "strength": strength, "table": table}


def reference(emo_id, strength, table):
    # z = Embedding(emo_id)
    z = jnp.take(table, emo_id, axis=0)
    # z = z * strength.unsqueeze(-1)
    z = z * strength[:, None]
    return z

if __name__ == "__main__":
    import jax
    _d = setup_inputs()
    print(jax.jit(kernel)(*tuple(_d.values())))

</pallas_src>

<mosaic_0001>
#map = affine_map<(d0, d1) -> (0)>
#map1 = affine_map<(d0, d1) -> (0, 0)>
module attributes {stable_mosaic.version = 14 : i64} {
  func.func @k(%arg0: i32, %arg1: i32, %arg2: memref<16384xi32, #tpu.memory_space<hbm>>, %arg3: memref<16384xf32, #tpu.memory_space<hbm>>, %arg4: memref<65000xf32, #tpu.memory_space<hbm>>, %arg5: memref<8192x128xf32, #tpu.memory_space<hbm>>, %arg6: memref<65000xf32, #tpu.memory_space<vmem_shared>>, %arg7: memref<65000xf32, #tpu.memory_space<vmem>>, %arg8: memref<512xi32, #tpu.memory_space<vmem>>, %arg9: memref<512xf32, #tpu.memory_space<vmem>>, %arg10: memref<64x128xf32, #tpu.memory_space<vmem>>, %arg11: memref<64x128xf32, #tpu.memory_space<vmem>>, %arg12: memref<!tpu.dma_semaphore, #tpu.memory_space<semaphore_mem>>, %arg13: memref<!tpu.dma_semaphore, #tpu.memory_space<semaphore_mem>>) attributes {dimension_semantics = [#tpu.dimension_semantics<core_parallel>, #tpu.dimension_semantics<subcore_parallel>], iteration_bounds = array<i64: 2, 16>, scalar_prefetch = 0 : i64, scratch_operands = 8 : i64, tpu.core_type = #tpu.core_type<sc_vector_subcore>, window_params = [{transform_indices = #map}, {transform_indices = #map}, {transform_indices = #map}, {transform_indices = #map1}]} {
    %mul3A = arith.constant 2 : i32
    %mul3A_0 = arith.muli %arg1, %mul3A : i32
    %add3A = arith.addi %mul3A_0, %arg0 : i32
    %mul3A_1 = arith.constant 512 : i32
    %mul3A_2 = arith.muli %add3A, %mul3A_1 : i32
    %eq3A = arith.constant 0 : i32
    %eq3A_3 = arith.cmpi eq, %arg1, %eq3A : i32
    %convert_element_type3A = arith.extui %eq3A_3 : i1 to i32
    %cond3A = arith.constant 0 : i32
    %cond3A_4 = arith.cmpi ne, %convert_element_type3A, %cond3A : i32
    scf.if %cond3A_4 {
      "tpu.region"() ({
        %run_scoped3A = tpu.sem_alloc : memref<!tpu.dma_semaphore, #tpu.memory_space<semaphore_mem>>
        tpu.enqueue_dma source(%arg4 : memref<65000xf32, #tpu.memory_space<hbm>>) target(%arg6 : memref<65000xf32, #tpu.memory_space<vmem_shared>>) target_semaphore(%run_scoped3A : memref<!tpu.dma_semaphore, #tpu.memory_space<semaphore_mem>>)
        tpu.wait_dma2 semaphore(%run_scoped3A : memref<!tpu.dma_semaphore, #tpu.memory_space<semaphore_mem>>) src(%arg4 : memref<65000xf32, #tpu.memory_space<hbm>>) dst(%arg6 : memref<65000xf32, #tpu.memory_space<vmem_shared>>)
        tpu.yield
      }) : () -> ()
    } else {
    }
    "tpu.region"() ({
      %run_scoped3A = tpu.sem_alloc : memref<!tpu.dma_semaphore, #tpu.memory_space<semaphore_mem>>
      %dma_start3A = tpu.memref_slice %arg2[%mul3A_2] : memref<16384xi32, #tpu.memory_space<hbm>> -> memref<512xi32, #tpu.memory_space<hbm>>
      %dma_start3A_200 = tpu.memref_slice %arg2[%mul3A_2] : memref<16384xi32, #tpu.memory_space<hbm>> -> memref<512xi32, #tpu.memory_space<hbm>>
      tpu.enqueue_dma source(%dma_start3A_200 : memref<512xi32, #tpu.memory_space<hbm>>) target(%arg8 : memref<512xi32, #tpu.memory_space<vmem>>) target_semaphore(%run_scoped3A : memref<!tpu.dma_semaphore, #tpu.memory_space<semaphore_mem>>)
      %dma_wait3A_201 = tpu.memref_slice %arg2[%mul3A_2] : memref<16384xi32, #tpu.memory_space<hbm>> -> memref<512xi32, #tpu.memory_space<hbm>>
      %dma_wait3A_202 = tpu.memref_slice %arg2[%mul3A_2] : memref<16384xi32, #tpu.memory_space<hbm>> -> memref<512xi32, #tpu.memory_space<hbm>>
      tpu.wait_dma2 semaphore(%run_scoped3A : memref<!tpu.dma_semaphore, #tpu.memory_space<semaphore_mem>>) src(%dma_wait3A_202 : memref<512xi32, #tpu.memory_space<hbm>>) dst(%arg8 : memref<512xi32, #tpu.memory_space<vmem>>)
      tpu.yield
    }) : () -> ()
    "tpu.region"() ({
      %run_scoped3A = tpu.sem_alloc : memref<!tpu.dma_semaphore, #tpu.memory_space<semaphore_mem>>
      %dma_start3A = tpu.memref_slice %arg3[%mul3A_2] : memref<16384xf32, #tpu.memory_space<hbm>> -> memref<512xf32, #tpu.memory_space<hbm>>
      %dma_start3A_200 = tpu.memref_slice %arg3[%mul3A_2] : memref<16384xf32, #tpu.memory_space<hbm>> -> memref<512xf32, #tpu.memory_space<hbm>>
      tpu.enqueue_dma source(%dma_start3A_200 : memref<512xf32, #tpu.memory_space<hbm>>) target(%arg9 : memref<512xf32, #tpu.memory_space<vmem>>) target_semaphore(%run_scoped3A : memref<!tpu.dma_semaphore, #tpu.memory_space<semaphore_mem>>)
      %dma_wait3A_201 = tpu.memref_slice %arg3[%mul3A_2] : memref<16384xf32, #tpu.memory_space<hbm>> -> memref<512xf32, #tpu.memory_space<hbm>>
      %dma_wait3A_202 = tpu.memref_slice %arg3[%mul3A_2] : memref<16384xf32, #tpu.memory_space<hbm>> -> memref<512xf32, #tpu.memory_space<hbm>>
      tpu.wait_dma2 semaphore(%run_scoped3A : memref<!tpu.dma_semaphore, #tpu.memory_space<semaphore_mem>>) src(%dma_wait3A_202 : memref<512xf32, #tpu.memory_space<hbm>>) dst(%arg9 : memref<512xf32, #tpu.memory_space<vmem>>)
      tpu.yield
    }) : () -> ()
    %barrier3A = arith.constant 0 : index
    tpu.barrier barrier_id(%barrier3A)
    "tpu.region"() ({
      %run_scoped3A = tpu.sem_alloc : memref<!tpu.dma_semaphore, #tpu.memory_space<semaphore_mem>>
      tpu.enqueue_dma source(%arg6 : memref<65000xf32, #tpu.memory_space<vmem_shared>>) target(%arg7 : memref<65000xf32, #tpu.memory_space<vmem>>) target_semaphore(%run_scoped3A : memref<!tpu.dma_semaphore, #tpu.memory_space<semaphore_mem>>)
      tpu.wait_dma2 semaphore(%run_scoped3A : memref<!tpu.dma_semaphore, #tpu.memory_space<semaphore_mem>>) src(%arg6 : memref<65000xf32, #tpu.memory_space<vmem_shared>>) dst(%arg7 : memref<65000xf32, #tpu.memory_space<vmem>>)
      tpu.yield
    }) : () -> ()
    %scan3A = arith.constant 0 : i32
    %scan3A_5 = arith.constant 2 : i32
    %scan3A_6 = arith.addi %scan3A, %scan3A_5 : i32
    %scan3A_7 = arith.constant 1 : i32
    scf.for %scan3A_200 = %scan3A to %scan3A_6 step %scan3A_7  : i32 {
      %mul3A_201 = arith.constant 1 : i32
      %mul3A_202 = arith.muli %scan3A_200, %mul3A_201 : i32
      %add3A_203 = arith.constant 0 : i32
      %add3A_204 = arith.addi %add3A_203, %mul3A_202 : i32
      %mul3A_205 = arith.constant 2 : i32
      %mul3A_206 = arith.muli %mul3A_205, %add3A_204 : i32
      %add3A_207 = arith.constant 0 : i32
      %add3A_208 = arith.addi %mul3A_206, %add3A_207 : i32
      %gt3A = arith.constant 0 : i32
      %gt3A_209 = arith.cmpi sgt, %add3A_204, %gt3A : i32
      %convert_element_type3A_210 = arith.extui %gt3A_209 : i1 to i32
      %cond3A_211 = arith.constant 0 : i32
      %cond3A_212 = arith.cmpi ne, %convert_element_type3A_210, %cond3A_211 : i32
      scf.if %cond3A_212 {
        %dma_wait3A_456 = arith.constant 0 : i32
        %dma_wait3A_457 = arith.constant 0 : i32
        %dma_wait3A_458 = tpu.memref_slice %arg10[%dma_wait3A_456, %dma_wait3A_457] : memref<64x128xf32, #tpu.memory_space<vmem>> -> memref<8x128xf32, #tpu.memory_space<vmem>>
        %dma_wait3A_459 = arith.constant 0 : i32
        %dma_wait3A_460 = arith.constant 0 : i32
        %dma_wait3A_461 = tpu.memref_slice %arg5[%dma_wait3A_459, %dma_wait3A_460] : memref<8192x128xf32, #tpu.memory_space<hbm>> -> memref<8x128xf32, #tpu.memory_space<hbm>>
        %dma_wait3A_462 = arith.constant 0 : i32
        %dma_wait3A_463 = arith.constant 0 : i32
        %dma_wait3A_464 = tpu.memref_slice %arg5[%dma_wait3A_462, %dma_wait3A_463] : memref<8192x128xf32, #tpu.memory_space<hbm>> -> memref<8x128xf32, #tpu.memory_space<hbm>>
        %dma_wait3A_465 = arith.constant 0 : i32
        %dma_wait3A_466 = arith.constant 0 : i32
        %dma_wait3A_467 = tpu.memref_slice %arg10[%dma_wait3A_465, %dma_wait3A_466] : memref<64x128xf32, #tpu.memory_space<vmem>> -> memref<8x128xf32, #tpu.memory_space<vmem>>
        tpu.wait_dma2 semaphore(%arg13 : memref<!tpu.dma_semaphore, #tpu.memory_space<semaphore_mem>>) src(%dma_wait3A_467 : memref<8x128xf32, #tpu.memory_space<vmem>>) dst(%dma_wait3A_464 : memref<8x128xf32, #tpu.memory_space<hbm>>)
        %dma_wait3A_468 = arith.constant 8 : i32
        %dma_wait3A_469 = arith.constant 0 : i32
        %dma_wait3A_470 = tpu.memref_slice %arg10[%dma_wait3A_468, %dma_wait3A_469] : memref<64x128xf32, #tpu.memory_space<vmem>> -> memref<8x128xf32, #tpu.memory_space<vmem>>
        %dma_wait3A_471 = arith.constant 1024 : i32
        %dma_wait3A_472 = arith.constant 0 : i32
        %dma_wait3A_473 = tpu.memref_slice %arg5[%dma_wait3A_471, %dma_wait3A_472] : memref<8192x128xf32, #tpu.memory_space<hbm>> -> memref<8x128xf32, #tpu.memory_space<hbm>>
        %dma_wait3A_474 = arith.constant 1024 : i32
        %dma_wait3A_475 = arith.constant 0 : i32
        %dma_wait3A_476 = tpu.memref_slice %arg5[%dma_wait3A_474, %dma_wait3A_475] : memref<8192x128xf32, #tpu.memory_space<hbm>> -> memref<8x128xf32, #tpu.memory_space<hbm>>
        %dma_wait3A_477 = arith.constant 8 : i32
        %dma_wait3A_478 = arith.constant 0 : i32
        %dma_wait3A_479 = tpu.memref_slice %arg10[%dma_wait3A_477, %dma_wait3A_478] : memref<64x128xf32, #tpu.memory_space<vmem>> -> memref<8x128xf32, #tpu.memory_space<vmem>>
        tpu.wait_dma2 semaphore(%arg13 : memref<!tpu.dma_semaphore, #tpu.memory_space<semaphore_mem>>) src(%dma_wait3A_479 : memref<8x128xf32, #tpu.memory_space<vmem>>) dst(%dma_wait3A_476 : memref<8x128xf32, #tpu.memory_space<hbm>>)
        %dma_wait3A_480 = arith.constant 16 : i32
        %dma_wait3A_481 = arith.constant 0 : i32
        %dma_wait3A_482 = tpu.memref_slice %arg10[%dma_wait3A_480, %dma_wait3A_481] : memref<64x128xf32, #tpu.memory_space<vmem>> -> memref<8x128xf32, #tpu.memory_space<vmem>>
        %dma_wait3A_483 = arith.constant 2048 : i32
        %dma_wait3A_484 = arith.constant 0 : i32
        %dma_wait3A_485 = tpu.memref_slice %arg5[%dma_wait3A_483, %dma_wait3A_484] : memref<8192x128xf32, #tpu.memory_space<hbm>> -> memref<8x128xf32, #tpu.memory_space<hbm>>
        %dma_wait3A_486 = arith.constant 2048 : i32
        %dma_wait3A_487 = arith.constant 0 : i32
        %dma_wait3A_488 = tpu.memref_slice %arg5[%dma_wait3A_486, %dma_wait3A_487] : memref<8192x128xf32, #tpu.memory_space<hbm>> -> memref<8x128xf32, #tpu.memory_space<hbm>>
        %dma_wait3A_489 = arith.constant 16 : i32
        %dma_wait3A_490 = arith.constant 0 : i32
        %dma_wait3A_491 = tpu.memref_slice %arg10[%dma_wait3A_489, %dma_wait3A_490] : memref<64x128xf32, #tpu.memory_space<vmem>> -> memref<8x128xf32, #tpu.memory_space<vmem>>
        tpu.wait_dma2 semaphore(%arg13 : memref<!tpu.dma_semaphore, #tpu.memory_space<semaphore_mem>>) src(%dma_wait3A_491 : memref<8x128xf32, #tpu.memory_space<vmem>>) dst(%dma_wait3A_488 : memref<8x128xf32, #tpu.memory_space<hbm>>)
        %dma_wait3A_492 = arith.constant 24 : i32
        %dma_wait3A_493 = arith.constant 0 : i32
        %dma_wait3A_494 = tpu.memref_slice %arg10[%dma_wait3A_492, %dma_wait3A_493] : memref<64x128xf32, #tpu.memory_space<vmem>> -> memref<8x128xf32, #tpu.memory_space<vmem>>
        %dma_wait3A_495 = arith.constant 3072 : i32
        %dma_wait3A_496 = arith.constant 0 : i32
        %dma_wait3A_497 = tpu.memref_slice %arg5[%dma_wait3A_495, %dma_wait3A_496] : memref<8192x128xf32, #tpu.memory_space<hbm>> -> memref<8x128xf32, #tpu.memory_space<hbm>>
        %dma_wait3A_498 = arith.constant 3072 : i32
        %dma_wait3A_499 = arith.constant 0 : i32
        %dma_wait3A_500 = tpu.memref_slice %arg5[%dma_wait3A_498, %dma_wait3A_499] : memref<8192x128xf32, #tpu.memory_space<hbm>> -> memref<8x128xf32, #tpu.memory_space<hbm>>
        %dma_wait3A_501 = arith.constant 24 : i32
        %dma_wait3A_502 = arith.constant 0 : i32
        %dma_wait3A_503 = tpu.memref_slice %arg10[%dma_wait3A_501, %dma_wait3A_502] : memref<64x128xf32, #tpu.memory_space<vmem>> -> memref<8x128xf32, #tpu.memory_space<vmem>>
        tpu.wait_dma2 semaphore(%arg13 : memref<!tpu.dma_semaphore, #tpu.memory_space<semaphore_mem>>) src(%dma_wait3A_503 : memref<8x128xf32, #tpu.memory_space<vmem>>) dst(%dma_wait3A_500 : memref<8x128xf32, #tpu.memory_space<hbm>>)
        %dma_wait3A_504 = arith.constant 32 : i32
        %dma_wait3A_505 = arith.constant 0 : i32
        %dma_wait3A_506 = tpu.memref_slice %arg10[%dma_wait3A_504, %dma_wait3A_505] : memref<64x128xf32, #tpu.memory_space<vmem>> -> memref<8x128xf32, #tpu.memory_space<vmem>>
        %dma_wait3A_507 = arith.constant 4096 : i32
        %dma_wait3A_508 = arith.constant 0 : i32
        %dma_wait3A_509 = tpu.memref_slice %arg5[%dma_wait3A_507, %dma_wait3A_508] : memref<8192x128xf32, #tpu.memory_space<hbm>> -> memref<8x128xf32, #tpu.memory_space<hbm>>
        %dma_wait3A_510 = arith.constant 4096 : i32
        %dma_wait3A_511 = arith.constant 0 : i32
        %dma_wait3A_512 = tpu.memref_slice %arg5[%dma_wait3A_510, %dma_wait3A_511] : memref<8192x128xf32, #tpu.memory_space<hbm>> -> memref<8x128xf32, #tpu.memory_space<hbm>>
        %dma_wait3A_513 = arith.constant 32 : i32
        %dma_wait3A_514 = arith.constant 0 : i32
        %dma_wait3A_515 = tpu.memref_slice %arg10[%dma_wait3A_513, %dma_wait3A_514] : memref<64x128xf32, #tpu.memory_space<vmem>> -> memref<8x128xf32, #tpu.memory_space<vmem>>
        tpu.wait_dma2 semaphore(%arg13 : memref<!tpu.dma_semaphore, #tpu.memory_space<semaphore_mem>>) src(%dma_wait3A_515 : memref<8x128xf32, #tpu.memory_space<vmem>>) dst(%dma_wait3A_512 : memref<8x128xf32, #tpu.memory_space<hbm>>)
        %dma_wait3A_516 = arith.constant 40 : i32
        %dma_wait3A_517 = arith.constant 0 : i32
        %dma_wait3A_518 = tpu.memref_slice %arg10[%dma_wait3A_516, %dma_wait3A_517] : memref<64x128xf32, #tpu.memory_space<vmem>> -> memref<8x128xf32, #tpu.memory_space<vmem>>
        %dma_wait3A_519 = arith.constant 5120 : i32
        %dma_wait3A_520 = arith.constant 0 : i32
        %dma_wait3A_521 = tpu.memref_slice %arg5[%dma_wait3A_519, %dma_wait3A_520] : memref<8192x128xf32, #tpu.memory_space<hbm>> -> memref<8x128xf32, #tpu.memory_space<hbm>>
        %dma_wait3A_522 = arith.constant 5120 : i32
        %dma_wait3A_523 = arith.constant 0 : i32
        %dma_wait3A_524 = tpu.memref_slice %arg5[%dma_wait3A_522, %dma_wait3A_523] : memref<8192x128xf32, #tpu.memory_space<hbm>> -> memref<8x128xf32, #tpu.memory_space<hbm>>
        %dma_wait3A_525 = arith.constant 40 : i32
        %dma_wait3A_526 = arith.constant 0 : i32
        %dma_wait3A_527 = tpu.memref_slice %arg10[%dma_wait3A_525, %dma_wait3A_526] : memref<64x128xf32, #tpu.memory_space<vmem>> -> memref<8x128xf32, #tpu.memory_space<vmem>>
        tpu.wait_dma2 semaphore(%arg13 : memref<!tpu.dma_semaphore, #tpu.memory_space<semaphore_mem>>) src(%dma_wait3A_527 : memref<8x128xf32, #tpu.memory_space<vmem>>) dst(%dma_wait3A_524 : memref<8x128xf32, #tpu.memory_space<hbm>>)
        %dma_wait3A_528 = arith.constant 48 : i32
        %dma_wait3A_529 = arith.constant 0 : i32
        %dma_wait3A_530 = tpu.memref_slice %arg10[%dma_wait3A_528, %dma_wait3A_529] : memref<64x128xf32, #tpu.memory_space<vmem>> -> memref<8x128xf32, #tpu.memory_space<vmem>>
        %dma_wait3A_531 = arith.constant 6144 : i32
        %dma_wait3A_532 = arith.constant 0 : i32
        %dma_wait3A_533 = tpu.memref_slice %arg5[%dma_wait3A_531, %dma_wait3A_532] : memref<8192x128xf32, #tpu.memory_space<hbm>> -> memref<8x128xf32, #tpu.memory_space<hbm>>
        %dma_wait3A_534 = arith.constant 6144 : i32
        %dma_wait3A_535 = arith.constant 0 : i32
        %dma_wait3A_536 = tpu.memref_slice %arg5[%dma_wait3A_534, %dma_wait3A_535] : memref<8192x128xf32, #tpu.memory_space<hbm>> -> memref<8x128xf32, #tpu.memory_space<hbm>>
        %dma_wait3A_537 = arith.constant 48 : i32
        %dma_wait3A_538 = arith.constant 0 : i32
        %dma_wait3A_539 = tpu.memref_slice %arg10[%dma_wait3A_537, %dma_wait3A_538] : memref<64x128xf32, #tpu.memory_space<vmem>> -> memref<8x128xf32, #tpu.memory_space<vmem>>
        tpu.wait_dma2 semaphore(%arg13 : memref<!tpu.dma_semaphore, #tpu.memory_space<semaphore_mem>>) src(%dma_wait3A_539 : memref<8x128xf32, #tpu.memory_space<vmem>>) dst(%dma_wait3A_536 : memref<8x128xf32, #tpu.memory_space<hbm>>)
        %dma_wait3A_540 = arith.constant 56 : i32
        %dma_wait3A_541 = arith.constant 0 : i32
        %dma_wait3A_542 = tpu.memref_slice %arg10[%dma_wait3A_540, %dma_wait3A_541] : memref<64x128xf32, #tpu.memory_space<vmem>> -> memref<8x128xf32, #tpu.memory_space<vmem>>
        %dma_wait3A_543 = arith.constant 7168 : i32
        %dma_wait3A_544 = arith.constant 0 : i32
        %dma_wait3A_545 = tpu.memref_slice %arg5[%dma_wait3A_543, %dma_wait3A_544] : memref<8192x128xf32, #tpu.memory_space<hbm>> -> memref<8x128xf32, #tpu.memory_space<hbm>>
        %dma_wait3A_546 = arith.constant 7168 : i32
        %dma_wait3A_547 = arith.constant 0 : i32
        %dma_wait3A_548 = tpu.memref_slice %arg5[%dma_wait3A_546, %dma_wait3A_547] : memref<8192x128xf32, #tpu.memory_space<hbm>> -> memref<8x128xf32, #tpu.memory_space<hbm>>
        %dma_wait3A_549 = arith.constant 56 : i32
        %dma_wait3A_550 = arith.constant 0 : i32
        %dma_wait3A_551 = tpu.memref_slice %arg10[%dma_wait3A_549, %dma_wait3A_550] : memref<64x128xf32, #tpu.memory_space<vmem>> -> memref<8x128xf32, #tpu.memory_space<vmem>>
        tpu.wait_dma2 semaphore(%arg13 : memref<!tpu.dma_semaphore, #tpu.memory_space<semaphore_mem>>) src(%dma_wait3A_551 : memref<8x128xf32, #tpu.memory_space<vmem>>) dst(%dma_wait3A_548 : memref<8x128xf32, #tpu.memory_space<hbm>>)
      } else {
      }
      %parallel_loop3A = arith.constant 0 : i32
      %parallel_loop3A_213 = arith.constant 8 : i32
      %parallel_loop3A_214 = arith.constant 1 : i32
      scf.for %parallel_loop3A_456 = %parallel_loop3A to %parallel_loop3A_213 step %parallel_loop3A_214  : i32 {
        %parallel_loop3A_457 = arith.constant 128 : i32
        %parallel_loop3A_458 = arith.muli %add3A_208, %parallel_loop3A_457 : i32
        %parallel_loop3A_459 = arith.constant 16 : i32
        %parallel_loop3A_460 = arith.muli %parallel_loop3A_456, %parallel_loop3A_459 : i32
        %parallel_loop3A_461 = arith.addi %parallel_loop3A_458, %parallel_loop3A_460 : i32
        %parallel_loop3A_462 = arith.index_cast %parallel_loop3A_461 : i32 to index
        %parallel_loop3A_463 = tpu.vector_load %arg8[%parallel_loop3A_462] {strides = array<i32>} : memref<512xi32, #tpu.memory_space<vmem>>, vector<16xi32>,
        %parallel_loop3A_464 = arith.index_cast %parallel_loop3A_461 : i32 to index
        %parallel_loop3A_465 = tpu.vector_load %arg9[%parallel_loop3A_464] {strides = array<i32>} : memref<512xf32, #tpu.memory_space<vmem>>, vector<16xf32>,
        %parallel_loop3A_466 = arith.constant 65 : i32
        %parallel_loop3A_467 = vector.broadcast %parallel_loop3A_466 : i32 to vector<16xi32>
        %parallel_loop3A_468 = arith.muli %parallel_loop3A_463, %parallel_loop3A_467 : vector<16xi32>
        %parallel_loop3A_469 = arith.constant 0 : i32
        %parallel_loop3A_470 = arith.constant 64 : i32
        %parallel_loop3A_471 = arith.constant 1 : i32
        scf.for %parallel_loop3A_472 = %parallel_loop3A_469 to %parallel_loop3A_470 step %parallel_loop3A_471  : i32 {
          %parallel_loop3A_473 = vector.broadcast %parallel_loop3A_472 : i32 to vector<16xi32>
          %parallel_loop3A_474 = arith.addi %parallel_loop3A_468, %parallel_loop3A_473 : vector<16xi32>
          %parallel_loop3A_475 = tpu.vector_load_idx %arg7[%parallel_loop3A_474] : memref<65000xf32, #tpu.memory_space<vmem>>[vector<16xi32>], vector<16xf32>,
          %parallel_loop3A_476 = arith.mulf %parallel_loop3A_475, %parallel_loop3A_465 : vector<16xf32>
          %parallel_loop3A_477 = arith.constant 16 : i32
          %parallel_loop3A_478 = arith.muli %parallel_loop3A_456, %parallel_loop3A_477 : i32
          %parallel_loop3A_479 = arith.index_cast %parallel_loop3A_472 : i32 to index
          %parallel_loop3A_480 = arith.index_cast %parallel_loop3A_478 : i32 to index
          %parallel_loop3A_481 = tpu.vector_load %arg10[%parallel_loop3A_479, %parallel_loop3A_480] {strides = array<i32>} : memref<64x128xf32, #tpu.memory_space<vmem>>, vector<16xf32>,
          tpu.vector_store %arg10[%parallel_loop3A_479, %parallel_loop3A_480], %parallel_loop3A_476 {strides = array<i32>} : memref<64x128xf32, #tpu.memory_space<vmem>>, vector<16xf32>,
        } {sc.loop_unroll_factor = 8 : i64, sc.parallel_access}
      } {sc.loop_unroll_factor = 1 : i64, sc.parallel_access}
      %mul3A_215 = arith.constant 4 : i32
      %mul3A_216 = arith.muli %add3A, %mul3A_215 : i32
      %add3A_217 = arith.addi %mul3A_216, %add3A_208 : i32
      %add3A_218 = arith.constant 0 : i32
      %add3A_219 = arith.addi %add3A_218, %add3A_217 : i32
      %mul3A_220 = arith.constant 8 : i32
      %mul3A_221 = arith.muli %add3A_219, %mul3A_220 : i32
      %dma_start3A = arith.constant 0 : i32
      %dma_start3A_222 = arith.constant 0 : i32
      %dma_start3A_223 = tpu.memref_slice %arg10[%dma_start3A, %dma_start3A_222] : memref<64x128xf32, #tpu.memory_space<vmem>> -> memref<8x128xf32, #tpu.memory_space<vmem>>
      %dma_start3A_224 = arith.constant 0 : i32
      %dma_start3A_225 = tpu.memref_slice %arg5[%mul3A_221, %dma_start3A_224] : memref<8192x128xf32, #tpu.memory_space<hbm>> -> memref<8x128xf32, #tpu.memory_space<hbm>>
      %dma_start3A_226 = arith.constant 0 : i32
      %dma_start3A_227 = tpu.memref_slice %arg5[%mul3A_221, %dma_start3A_226] : memref<8192x128xf32, #tpu.memory_space<hbm>> -> memref<8x128xf32, #tpu.memory_space<hbm>>
      %dma_start3A_228 = arith.constant 0 : i32
      %dma_start3A_229 = arith.constant 0 : i32
      %dma_start3A_230 = tpu.memref_slice %arg10[%dma_start3A_228, %dma_start3A_229] : memref<64x128xf32, #tpu.memory_space<vmem>> -> memref<8x128xf32, #tpu.memory_space<vmem>>
      tpu.enqueue_dma source(%dma_start3A_230 : memref<8x128xf32, #tpu.memory_space<vmem>>) target(%dma_start3A_227 : memref<8x128xf32, #tpu.memory_space<hbm>>) target_semaphore(%arg13 : memref<!tpu.dma_semaphore, #tpu.memory_space<semaphore_mem>>)
      %add3A_231 = arith.constant 128 : i32
      %add3A_232 = arith.addi %add3A_231, %add3A_217 : i32
      %mul3A_233 = arith.constant 8 : i32
      %mul3A_234 = arith.muli %add3A_232, %mul3A_233 : i32
      %dma_start3A_235 = arith.constant 8 : i32
      %dma_start3A_236 = arith.constant 0 : i32
      %dma_start3A_237 = tpu.memref_slice %arg10[%dma_start3A_235, %dma_start3A_236] : memref<64x128xf32, #tpu.memory_space<vmem>> -> memref<8x128xf32, #tpu.memory_space<vmem>>
      %dma_start3A_238 = arith.constant 0 : i32
      %dma_start3A_239 = tpu.memref_slice %arg5[%mul3A_234, %dma_start3A_238] : memref<8192x128xf32, #tpu.memory_space<hbm>> -> memref<8x128xf32, #tpu.memory_space<hbm>>
      %dma_start3A_240 = arith.constant 0 : i32
      %dma_start3A_241 = tpu.memref_slice %arg5[%mul3A_234, %dma_start3A_240] : memref<8192x128xf32, #tpu.memory_space<hbm>> -> memref<8x128xf32, #tpu.memory_space<hbm>>
      %dma_start3A_242 = arith.constant 8 : i32
      %dma_start3A_243 = arith.constant 0 : i32
      %dma_start3A_244 = tpu.memref_slice %arg10[%dma_start3A_242, %dma_start3A_243] : memref<64x128xf32, #tpu.memory_space<vmem>> -> memref<8x128xf32, #tpu.memory_space<vmem>>
      tpu.enqueue_dma source(%dma_start3A_244 : memref<8x128xf32, #tpu.memory_space<vmem>>) target(%dma_start3A_241 : memref<8x128xf32, #tpu.memory_space<hbm>>) target_semaphore(%arg13 : memref<!tpu.dma_semaphore, #tpu.memory_space<semaphore_mem>>)
      %add3A_245 = arith.constant 256 : i32
      %add3A_246 = arith.addi %add3A_245, %add3A_217 : i32
      %mul3A_247 = arith.constant 8 : i32
      %mul3A_248 = arith.muli %add3A_246, %mul3A_247 : i32
      %dma_start3A_249 = arith.constant 16 : i32
      %dma_start3A_250 = arith.constant 0 : i32
      %dma_start3A_251 = tpu.memref_slice %arg10[%dma_start3A_249, %dma_start3A_250] : memref<64x128xf32, #tpu.memory_space<vmem>> -> memref<8x128xf32, #tpu.memory_space<vmem>>
      %dma_start3A_252 = arith.constant 0 : i32
      %dma_start3A_253 = tpu.memref_slice %arg5[%mul3A_248, %dma_start3A_252] : memref<8192x128xf32, #tpu.memory_space<hbm>> -> memref<8x128xf32, #tpu.memory_space<hbm>>
      %dma_start3A_254 = arith.constant 0 : i32
      %dma_start3A_255 = tpu.memref_slice %arg5[%mul3A_248, %dma_start3A_254] : memref<8192x128xf32, #tpu.memory_space<hbm>> -> memref<8x128xf32, #tpu.memory_space<hbm>>
      %dma_start3A_256 = arith.constant 16 : i32
      %dma_start3A_257 = arith.constant 0 : i32
      %dma_start3A_258 = tpu.memref_slice %arg10[%dma_start3A_256, %dma_start3A_257] : memref<64x128xf32, #tpu.memory_space<vmem>> -> memref<8x128xf32, #tpu.memory_space<vmem>>
      tpu.enqueue_dma source(%dma_start3A_258 : memref<8x128xf32, #tpu.memory_space<vmem>>) target(%dma_start3A_255 : memref<8x128xf32, #tpu.memory_space<hbm>>) target_semaphore(%arg13 : memref<!tpu.dma_semaphore, #tpu.memory_space<semaphore_mem>>)
      %add3A_259 = arith.constant 384 : i32
      %add3A_260 = arith.addi %add3A_259, %add3A_217 : i32
      %mul3A_261 = arith.constant 8 : i32
      %mul3A_262 = arith.muli %add3A_260, %mul3A_261 : i32
      %dma_start3A_263 = arith.constant 24 : i32
      %dma_start3A_264 = arith.constant 0 : i32
      %dma_start3A_265 = tpu.memref_slice %arg10[%dma_start3A_263, %dma_start3A_264] : memref<64x128xf32, #tpu.memory_space<vmem>> -> memref<8x128xf32, #tpu.memory_space<vmem>>
      %dma_start3A_266 = arith.constant 0 : i32
      %dma_start3A_267 = tpu.memref_slice %arg5[%mul3A_262, %dma_start3A_266] : memref<8192x128xf32, #tpu.memory_space<hbm>> -> memref<8x128xf32, #tpu.memory_space<hbm>>
      %dma_start3A_268 = arith.constant 0 : i32
      %dma_start3A_269 = tpu.memref_slice %arg5[%mul3A_262, %dma_start3A_268] : memref<8192x128xf32, #tpu.memory_space<hbm>> -> memref<8x128xf32, #tpu.memory_space<hbm>>
      %dma_start3A_270 = arith.constant 24 : i32
      %dma_start3A_271 = arith.constant 0 : i32
      %dma_start3A_272 = tpu.memref_slice %arg10[%dma_start3A_270, %dma_start3A_271] : memref<64x128xf32, #tpu.memory_space<vmem>> -> memref<8x128xf32, #tpu.memory_space<vmem>>
      tpu.enqueue_dma source(%dma_start3A_272 : memref<8x128xf32, #tpu.memory_space<vmem>>) target(%dma_start3A_269 : memref<8x128xf32, #tpu.memory_space<hbm>>) target_semaphore(%arg13 : memref<!tpu.dma_semaphore, #tpu.memory_space<semaphore_mem>>)
      %add3A_273 = arith.constant 512 : i32
      %add3A_274 = arith.addi %add3A_273, %add3A_217 : i32
      %mul3A_275 = arith.constant 8 : i32
      %mul3A_276 = arith.muli %add3A_274, %mul3A_275 : i32
      %dma_start3A_277 = arith.constant 32 : i32
      %dma_start3A_278 = arith.constant 0 : i32
      %dma_start3A_279 = tpu.memref_slice %arg10[%dma_start3A_277, %dma_start3A_278] : memref<64x128xf32, #tpu.memory_space<vmem>> -> memref<8x128xf32, #tpu.memory_space<vmem>>
      %dma_start3A_280 = arith.constant 0 : i32
      %dma_start3A_281 = tpu.memref_slice %arg5[%mul3A_276, %dma_start3A_280] : memref<8192x128xf32, #tpu.memory_space<hbm>> -> memref<8x128xf32, #tpu.memory_space<hbm>>
      %dma_start3A_282 = arith.constant 0 : i32
      %dma_start3A_283 = tpu.memref_slice %arg5[%mul3A_276, %dma_start3A_282] : memref<8192x128xf32, #tpu.memory_space<hbm>> -> memref<8x128xf32, #tpu.memory_space<hbm>>
      %dma_start3A_284 = arith.constant 32 : i32
      %dma_start3A_285 = arith.constant 0 : i32
      %dma_start3A_286 = tpu.memref_slice %arg10[%dma_start3A_284, %dma_start3A_285] : memref<64x128xf32, #tpu.memory_space<vmem>> -> memref<8x128xf32, #tpu.memory_space<vmem>>
      tpu.enqueue_dma source(%dma_start3A_286 : memref<8x128xf32, #tpu.memory_space<vmem>>) target(%dma_start3A_283 : memref<8x128xf32, #tpu.memory_space<hbm>>) target_semaphore(%arg13 : memref<!tpu.dma_semaphore, #tpu.memory_space<semaphore_mem>>)
      %add3A_287 = arith.constant 640 : i32
      %add3A_288 = arith.addi %add3A_287, %add3A_217 : i32
      %mul3A_289 = arith.constant 8 : i32
      %mul3A_290 = arith.muli %add3A_288, %mul3A_289 : i32
      %dma_start3A_291 = arith.constant 40 : i32
      %dma_start3A_292 = arith.constant 0 : i32
      %dma_start3A_293 = tpu.memref_slice %arg10[%dma_start3A_291, %dma_start3A_292] : memref<64x128xf32, #tpu.memory_space<vmem>> -> memref<8x128xf32, #tpu.memory_space<vmem>>
      %dma_start3A_294 = arith.constant 0 : i32
      %dma_start3A_295 = tpu.memref_slice %arg5[%mul3A_290, %dma_start3A_294] : memref<8192x128xf32, #tpu.memory_space<hbm>> -> memref<8x128xf32, #tpu.memory_space<hbm>>
      %dma_start3A_296 = arith.constant 0 : i32
      %dma_start3A_297 = tpu.memref_slice %arg5[%mul3A_290, %dma_start3A_296] : memref<8192x128xf32, #tpu.memory_space<hbm>> -> memref<8x128xf32, #tpu.memory_space<hbm>>
      %dma_start3A_298 = arith.constant 40 : i32
      %dma_start3A_299 = arith.constant 0 : i32
      %dma_start3A_300 = tpu.memref_slice %arg10[%dma_start3A_298, %dma_start3A_299] : memref<64x128xf32, #tpu.memory_space<vmem>> -> memref<8x128xf32, #tpu.memory_space<vmem>>
      tpu.enqueue_dma source(%dma_start3A_300 : memref<8x128xf32, #tpu.memory_space<vmem>>) target(%dma_start3A_297 : memref<8x128xf32, #tpu.memory_space<hbm>>) target_semaphore(%arg13 : memref<!tpu.dma_semaphore, #tpu.memory_space<semaphore_mem>>)
      %add3A_301 = arith.constant 768 : i32
      %add3A_302 = arith.addi %add3A_301, %add3A_217 : i32
      %mul3A_303 = arith.constant 8 : i32
      %mul3A_304 = arith.muli %add3A_302, %mul3A_303 : i32
      %dma_start3A_305 = arith.constant 48 : i32
      %dma_start3A_306 = arith.constant 0 : i32
      %dma_start3A_307 = tpu.memref_slice %arg10[%dma_start3A_305, %dma_start3A_306] : memref<64x128xf32, #tpu.memory_space<vmem>> -> memref<8x128xf32, #tpu.memory_space<vmem>>
      %dma_start3A_308 = arith.constant 0 : i32
      %dma_start3A_309 = tpu.memref_slice %arg5[%mul3A_304, %dma_start3A_308] : memref<8192x128xf32, #tpu.memory_space<hbm>> -> memref<8x128xf32, #tpu.memory_space<hbm>>
      %dma_start3A_310 = arith.constant 0 : i32
      %dma_start3A_311 = tpu.memref_slice %arg5[%mul3A_304, %dma_start3A_310] : memref<8192x128xf32, #tpu.memory_space<hbm>> -> memref<8x128xf32, #tpu.memory_space<hbm>>
      %dma_start3A_312 = arith.constant 48 : i32
      %dma_start3A_313 = arith.constant 0 : i32
      %dma_start3A_314 = tpu.memref_slice %arg10[%dma_start3A_312, %dma_start3A_313] : memref<64x128xf32, #tpu.memory_space<vmem>> -> memref<8x128xf32, #tpu.memory_space<vmem>>
      tpu.enqueue_dma source(%dma_start3A_314 : memref<8x128xf32, #tpu.memory_space<vmem>>) target(%dma_start3A_311 : memref<8x128xf32, #tpu.memory_space<hbm>>) target_semaphore(%arg13 : memref<!tpu.dma_semaphore, #tpu.memory_space<semaphore_mem>>)
      %add3A_315 = arith.constant 896 : i32
      %add3A_316 = arith.addi %add3A_315, %add3A_217 : i32
      %mul3A_317 = arith.constant 8 : i32
      %mul3A_318 = arith.muli %add3A_316, %mul3A_317 : i32
      %dma_start3A_319 = arith.constant 56 : i32
      %dma_start3A_320 = arith.constant 0 : i32
      %dma_start3A_321 = tpu.memref_slice %arg10[%dma_start3A_319, %dma_start3A_320] : memref<64x128xf32, #tpu.memory_space<vmem>> -> memref<8x128xf32, #tpu.memory_space<vmem>>
      %dma_start3A_322 = arith.constant 0 : i32
      %dma_start3A_323 = tpu.memref_slice %arg5[%mul3A_318, %dma_start3A_322] : memref<8192x128xf32, #tpu.memory_space<hbm>> -> memref<8x128xf32, #tpu.memory_space<hbm>>
      %dma_start3A_324 = arith.constant 0 : i32
      %dma_start3A_325 = tpu.memref_slice %arg5[%mul3A_318, %dma_start3A_324] : memref<8192x128xf32, #tpu.memory_space<hbm>> -> memref<8x128xf32, #tpu.memory_space<hbm>>
      %dma_start3A_326 = arith.constant 56 : i32
      %dma_start3A_327 = arith.constant 0 : i32
      %dma_start3A_328 = tpu.memref_slice %arg10[%dma_start3A_326, %dma_start3A_327] : memref<64x128xf32, #tpu.memory_space<vmem>> -> memref<8x128xf32, #tpu.memory_space<vmem>>
      tpu.enqueue_dma source(%dma_start3A_328 : memref<8x128xf32, #tpu.memory_space<vmem>>) target(%dma_start3A_325 : memref<8x128xf32, #tpu.memory_space<hbm>>) target_semaphore(%arg13 : memref<!tpu.dma_semaphore, #tpu.memory_space<semaphore_mem>>)
      %mul3A_329 = arith.constant 2 : i32
      %mul3A_330 = arith.muli %mul3A_329, %add3A_204 : i32
      %add3A_331 = arith.constant 1 : i32
      %add3A_332 = arith.addi %mul3A_330, %add3A_331 : i32
      %gt3A_333 = arith.constant 0 : i32
      %gt3A_334 = arith.cmpi sgt, %add3A_204, %gt3A_333 : i32
      %convert_element_type3A_335 = arith.extui %gt3A_334 : i1 to i32
      %cond3A_336 = arith.constant 0 : i32
      %cond3A_337 = arith.cmpi ne, %convert_element_type3A_335, %cond3A_336 : i32
      scf.if %cond3A_337 {
        %dma_wait3A_456 = arith.constant 0 : i32
        %dma_wait3A_457 = arith.constant 0 : i32
        %dma_wait3A_458 = tpu.memref_slice %arg11[%dma_wait3A_456, %dma_wait3A_457] : memref<64x128xf32, #tpu.memory_space<vmem>> -> memref<8x128xf32, #tpu.memory_space<vmem>>
        %dma_wait3A_459 = arith.constant 0 : i32
        %dma_wait3A_460 = arith.constant 0 : i32
        %dma_wait3A_461 = tpu.memref_slice %arg5[%dma_wait3A_459, %dma_wait3A_460] : memref<8192x128xf32, #tpu.memory_space<hbm>> -> memref<8x128xf32, #tpu.memory_space<hbm>>
        %dma_wait3A_462 = arith.constant 0 : i32
        %dma_wait3A_463 = arith.constant 0 : i32
        %dma_wait3A_464 = tpu.memref_slice %arg5[%dma_wait3A_462, %dma_wait3A_463] : memref<8192x128xf32, #tpu.memory_space<hbm>> -> memref<8x128xf32, #tpu.memory_space<hbm>>
        %dma_wait3A_465 = arith.constant 0 : i32
        %dma_wait3A_466 = arith.constant 0 : i32
        %dma_wait3A_467 = tpu.memref_slice %arg11[%dma_wait3A_465, %dma_wait3A_466] : memref<64x128xf32, #tpu.memory_space<vmem>> -> memref<8x128xf32, #tpu.memory_space<vmem>>
        tpu.wait_dma2 semaphore(%arg13 : memref<!tpu.dma_semaphore, #tpu.memory_space<semaphore_mem>>) src(%dma_wait3A_467 : memref<8x128xf32, #tpu.memory_space<vmem>>) dst(%dma_wait3A_464 : memref<8x128xf32, #tpu.memory_space<hbm>>)
        %dma_wait3A_468 = arith.constant 8 : i32
        %dma_wait3A_469 = arith.constant 0 : i32
        %dma_wait3A_470 = tpu.memref_slice %arg11[%dma_wait3A_468, %dma_wait3A_469] : memref<64x128xf32, #tpu.memory_space<vmem>> -> memref<8x128xf32, #tpu.memory_space<vmem>>
        %dma_wait3A_471 = arith.constant 1024 : i32
        %dma_wait3A_472 = arith.constant 0 : i32
        %dma_wait3A_473 = tpu.memref_slice %arg5[%dma_wait3A_471, %dma_wait3A_472] : memref<8192x128xf32, #tpu.memory_space<hbm>> -> memref<8x128xf32, #tpu.memory_space<hbm>>
        %dma_wait3A_474 = arith.constant 1024 : i32
        %dma_wait3A_475 = arith.constant 0 : i32
        %dma_wait3A_476 = tpu.memref_slice %arg5[%dma_wait3A_474, %dma_wait3A_475] : memref<8192x128xf32, #tpu.memory_space<hbm>> -> memref<8x128xf32, #tpu.memory_space<hbm>>
        %dma_wait3A_477 = arith.constant 8 : i32
        %dma_wait3A_478 = arith.constant 0 : i32
        %dma_wait3A_479 = tpu.memref_slice %arg11[%dma_wait3A_477, %dma_wait3A_478] : memref<64x128xf32, #tpu.memory_space<vmem>> -> memref<8x128xf32, #tpu.memory_space<vmem>>
        tpu.wait_dma2 semaphore(%arg13 : memref<!tpu.dma_semaphore, #tpu.memory_space<semaphore_mem>>) src(%dma_wait3A_479 : memref<8x128xf32, #tpu.memory_space<vmem>>) dst(%dma_wait3A_476 : memref<8x128xf32, #tpu.memory_space<hbm>>)
        %dma_wait3A_480 = arith.constant 16 : i32
        %dma_wait3A_481 = arith.constant 0 : i32
        %dma_wait3A_482 = tpu.memref_slice %arg11[%dma_wait3A_480, %dma_wait3A_481] : memref<64x128xf32, #tpu.memory_space<vmem>> -> memref<8x128xf32, #tpu.memory_space<vmem>>
        %dma_wait3A_483 = arith.constant 2048 : i32
        %dma_wait3A_484 = arith.constant 0 : i32
        %dma_wait3A_485 = tpu.memref_slice %arg5[%dma_wait3A_483, %dma_wait3A_484] : memref<8192x128xf32, #tpu.memory_space<hbm>> -> memref<8x128xf32, #tpu.memory_space<hbm>>
        %dma_wait3A_486 = arith.constant 2048 : i32
        %dma_wait3A_487 = arith.constant 0 : i32
        %dma_wait3A_488 = tpu.memref_slice %arg5[%dma_wait3A_486, %dma_wait3A_487] : memref<8192x128xf32, #tpu.memory_space<hbm>> -> memref<8x128xf32, #tpu.memory_space<hbm>>
        %dma_wait3A_489 = arith.constant 16 : i32
        %dma_wait3A_490 = arith.constant 0 : i32
        %dma_wait3A_491 = tpu.memref_slice %arg11[%dma_wait3A_489, %dma_wait3A_490] : memref<64x128xf32, #tpu.memory_space<vmem>> -> memref<8x128xf32, #tpu.memory_space<vmem>>
        tpu.wait_dma2 semaphore(%arg13 : memref<!tpu.dma_semaphore, #tpu.memory_space<semaphore_mem>>) src(%dma_wait3A_491 : memref<8x128xf32, #tpu.memory_space<vmem>>) dst(%dma_wait3A_488 : memref<8x128xf32, #tpu.memory_space<hbm>>)
        %dma_wait3A_492 = arith.constant 24 : i32
        %dma_wait3A_493 = arith.constant 0 : i32
        %dma_wait3A_494 = tpu.memref_slice %arg11[%dma_wait3A_492, %dma_wait3A_493] : memref<64x128xf32, #tpu.memory_space<vmem>> -> memref<8x128xf32, #tpu.memory_space<vmem>>
        %dma_wait3A_495 = arith.constant 3072 : i32
        %dma_wait3A_496 = arith.constant 0 : i32
        %dma_wait3A_497 = tpu.memref_slice %arg5[%dma_wait3A_495, %dma_wait3A_496] : memref<8192x128xf32, #tpu.memory_space<hbm>> -> memref<8x128xf32, #tpu.memory_space<hbm>>
        %dma_wait3A_498 = arith.constant 3072 : i32
        %dma_wait3A_499 = arith.constant 0 : i32
        %dma_wait3A_500 = tpu.memref_slice %arg5[%dma_wait3A_498, %dma_wait3A_499] : memref<8192x128xf32, #tpu.memory_space<hbm>> -> memref<8x128xf32, #tpu.memory_space<hbm>>
        %dma_wait3A_501 = arith.constant 24 : i32
        %dma_wait3A_502 = arith.constant 0 : i32
        %dma_wait3A_503 = tpu.memref_slice %arg11[%dma_wait3A_501, %dma_wait3A_502] : memref<64x128xf32, #tpu.memory_space<vmem>> -> memref<8x128xf32, #tpu.memory_space<vmem>>
        tpu.wait_dma2 semaphore(%arg13 : memref<!tpu.dma_semaphore, #tpu.memory_space<semaphore_mem>>) src(%dma_wait3A_503 : memref<8x128xf32, #tpu.memory_space<vmem>>) dst(%dma_wait3A_500 : memref<8x128xf32, #tpu.memory_space<hbm>>)
        %dma_wait3A_504 = arith.constant 32 : i32
        %dma_wait3A_505 = arith.constant 0 : i32
        %dma_wait3A_506 = tpu.memref_slice %arg11[%dma_wait3A_504, %dma_wait3A_505] : memref<64x128xf32, #tpu.memory_space<vmem>> -> memref<8x128xf32, #tpu.memory_space<vmem>>
        %dma_wait3A_507 = arith.constant 4096 : i32
        %dma_wait3A_508 = arith.constant 0 : i32
        %dma_wait3A_509 = tpu.memref_slice %arg5[%dma_wait3A_507, %dma_wait3A_508] : memref<8192x128xf32, #tpu.memory_space<hbm>> -> memref<8x128xf32, #tpu.memory_space<hbm>>
        %dma_wait3A_510 = arith.constant 4096 : i32
        %dma_wait3A_511 = arith.constant 0 : i32
        %dma_wait3A_512 = tpu.memref_slice %arg5[%dma_wait3A_510, %dma_wait3A_511] : memref<8192x128xf32, #tpu.memory_space<hbm>> -> memref<8x128xf32, #tpu.memory_space<hbm>>
        %dma_wait3A_513 = arith.constant 32 : i32
        %dma_wait3A_514 = arith.constant 0 : i32
        %dma_wait3A_515 = tpu.memref_slice %arg11[%dma_wait3A_513, %dma_wait3A_514] : memref<64x128xf32, #tpu.memory_space<vmem>> -> memref<8x128xf32, #tpu.memory_space<vmem>>
        tpu.wait_dma2 semaphore(%arg13 : memref<!tpu.dma_semaphore, #tpu.memory_space<semaphore_mem>>) src(%dma_wait3A_515 : memref<8x128xf32, #tpu.memory_space<vmem>>) dst(%dma_wait3A_512 : memref<8x128xf32, #tpu.memory_space<hbm>>)
        %dma_wait3A_516 = arith.constant 40 : i32
        %dma_wait3A_517 = arith.constant 0 : i32
        %dma_wait3A_518 = tpu.memref_slice %arg11[%dma_wait3A_516, %dma_wait3A_517] : memref<64x128xf32, #tpu.memory_space<vmem>> -> memref<8x128xf32, #tpu.memory_space<vmem>>
        %dma_wait3A_519 = arith.constant 5120 : i32
        %dma_wait3A_520 = arith.constant 0 : i32
        %dma_wait3A_521 = tpu.memref_slice %arg5[%dma_wait3A_519, %dma_wait3A_520] : memref<8192x128xf32, #tpu.memory_space<hbm>> -> memref<8x128xf32, #tpu.memory_space<hbm>>
        %dma_wait3A_522 = arith.constant 5120 : i32
        %dma_wait3A_523 = arith.constant 0 : i32
        %dma_wait3A_524 = tpu.memref_slice %arg5[%dma_wait3A_522, %dma_wait3A_523] : memref<8192x128xf32, #tpu.memory_space<hbm>> -> memref<8x128xf32, #tpu.memory_space<hbm>>
        %dma_wait3A_525 = arith.constant 40 : i32
        %dma_wait3A_526 = arith.constant 0 : i32
        %dma_wait3A_527 = tpu.memref_slice %arg11[%dma_wait3A_525, %dma_wait3A_526] : memref<64x128xf32, #tpu.memory_space<vmem>> -> memref<8x128xf32, #tpu.memory_space<vmem>>
        tpu.wait_dma2 semaphore(%arg13 : memref<!tpu.dma_semaphore, #tpu.memory_space<semaphore_mem>>) src(%dma_wait3A_527 : memref<8x128xf32, #tpu.memory_space<vmem>>) dst(%dma_wait3A_524 : memref<8x128xf32, #tpu.memory_space<hbm>>)
        %dma_wait3A_528 = arith.constant 48 : i32
        %dma_wait3A_529 = arith.constant 0 : i32
        %dma_wait3A_530 = tpu.memref_slice %arg11[%dma_wait3A_528, %dma_wait3A_529] : memref<64x128xf32, #tpu.memory_space<vmem>> -> memref<8x128xf32, #tpu.memory_space<vmem>>
        %dma_wait3A_531 = arith.constant 6144 : i32
        %dma_wait3A_532 = arith.constant 0 : i32
        %dma_wait3A_533 = tpu.memref_slice %arg5[%dma_wait3A_531, %dma_wait3A_532] : memref<8192x128xf32, #tpu.memory_space<hbm>> -> memref<8x128xf32, #tpu.memory_space<hbm>>
        %dma_wait3A_534 = arith.constant 6144 : i32
        %dma_wait3A_535 = arith.constant 0 : i32
        %dma_wait3A_536 = tpu.memref_slice %arg5[%dma_wait3A_534, %dma_wait3A_535] : memref<8192x128xf32, #tpu.memory_space<hbm>> -> memref<8x128xf32, #tpu.memory_space<hbm>>
        %dma_wait3A_537 = arith.constant 48 : i32
        %dma_wait3A_538 = arith.constant 0 : i32
        %dma_wait3A_539 = tpu.memref_slice %arg11[%dma_wait3A_537, %dma_wait3A_538] : memref<64x128xf32, #tpu.memory_space<vmem>> -> memref<8x128xf32, #tpu.memory_space<vmem>>
        tpu.wait_dma2 semaphore(%arg13 : memref<!tpu.dma_semaphore, #tpu.memory_space<semaphore_mem>>) src(%dma_wait3A_539 : memref<8x128xf32, #tpu.memory_space<vmem>>) dst(%dma_wait3A_536 : memref<8x128xf32, #tpu.memory_space<hbm>>)
        %dma_wait3A_540 = arith.constant 56 : i32
        %dma_wait3A_541 = arith.constant 0 : i32
        %dma_wait3A_542 = tpu.memref_slice %arg11[%dma_wait3A_540, %dma_wait3A_541] : memref<64x128xf32, #tpu.memory_space<vmem>> -> memref<8x128xf32, #tpu.memory_space<vmem>>
        %dma_wait3A_543 = arith.constant 7168 : i32
        %dma_wait3A_544 = arith.constant 0 : i32
        %dma_wait3A_545 = tpu.memref_slice %arg5[%dma_wait3A_543, %dma_wait3A_544] : memref<8192x128xf32, #tpu.memory_space<hbm>> -> memref<8x128xf32, #tpu.memory_space<hbm>>
        %dma_wait3A_546 = arith.constant 7168 : i32
        %dma_wait3A_547 = arith.constant 0 : i32
        %dma_wait3A_548 = tpu.memref_slice %arg5[%dma_wait3A_546, %dma_wait3A_547] : memref<8192x128xf32, #tpu.memory_space<hbm>> -> memref<8x128xf32, #tpu.memory_space<hbm>>
        %dma_wait3A_549 = arith.constant 56 : i32
        %dma_wait3A_550 = arith.constant 0 : i32
        %dma_wait3A_551 = tpu.memref_slice %arg11[%dma_wait3A_549, %dma_wait3A_550] : memref<64x128xf32, #tpu.memory_space<vmem>> -> memref<8x128xf32, #tpu.memory_space<vmem>>
        tpu.wait_dma2 semaphore(%arg13 : memref<!tpu.dma_semaphore, #tpu.memory_space<semaphore_mem>>) src(%dma_wait3A_551 : memref<8x128xf32, #tpu.memory_space<vmem>>) dst(%dma_wait3A_548 : memref<8x128xf32, #tpu.memory_space<hbm>>)
      } else {
      }
      %parallel_loop3A_338 = arith.constant 0 : i32
      %parallel_loop3A_339 = arith.constant 8 : i32
      %parallel_loop3A_340 = arith.constant 1 : i32
      scf.for %parallel_loop3A_456 = %parallel_loop3A_338 to %parallel_loop3A_339 step %parallel_loop3A_340  : i32 {
        %parallel_loop3A_457 = arith.constant 128 : i32
        %parallel_loop3A_458 = arith.muli %add3A_332, %parallel_loop3A_457 : i32
        %parallel_loop3A_459 = arith.constant 16 : i32
        %parallel_loop3A_460 = arith.muli %parallel_loop3A_456, %parallel_loop3A_459 : i32
        %parallel_loop3A_461 = arith.addi %parallel_loop3A_458, %parallel_loop3A_460 : i32
        %parallel_loop3A_462 = arith.index_cast %parallel_loop3A_461 : i32 to index
        %parallel_loop3A_463 = tpu.vector_load %arg8[%parallel_loop3A_462] {strides = array<i32>} : memref<512xi32, #tpu.memory_space<vmem>>, vector<16xi32>,
        %parallel_loop3A_464 = arith.index_cast %parallel_loop3A_461 : i32 to index
        %parallel_loop3A_465 = tpu.vector_load %arg9[%parallel_loop3A_464] {strides = array<i32>} : memref<512xf32, #tpu.memory_space<vmem>>, vector<16xf32>,
        %parallel_loop3A_466 = arith.constant 65 : i32
        %parallel_loop3A_467 = vector.broadcast %parallel_loop3A_466 : i32 to vector<16xi32>
        %parallel_loop3A_468 = arith.muli %parallel_loop3A_463, %parallel_loop3A_467 : vector<16xi32>
        %parallel_loop3A_469 = arith.constant 0 : i32
        %parallel_loop3A_470 = arith.constant 64 : i32
        %parallel_loop3A_471 = arith.constant 1 : i32
        scf.for %parallel_loop3A_472 = %parallel_loop3A_469 to %parallel_loop3A_470 step %parallel_loop3A_471  : i32 {
          %parallel_loop3A_473 = vector.broadcast %parallel_loop3A_472 : i32 to vector<16xi32>
          %parallel_loop3A_474 = arith.addi %parallel_loop3A_468, %parallel_loop3A_473 : vector<16xi32>
          %parallel_loop3A_475 = tpu.vector_load_idx %arg7[%parallel_loop3A_474] : memref<65000xf32, #tpu.memory_space<vmem>>[vector<16xi32>], vector<16xf32>,
          %parallel_loop3A_476 = arith.mulf %parallel_loop3A_475, %parallel_loop3A_465 : vector<16xf32>
          %parallel_loop3A_477 = arith.constant 16 : i32
          %parallel_loop3A_478 = arith.muli %parallel_loop3A_456, %parallel_loop3A_477 : i32
          %parallel_loop3A_479 = arith.index_cast %parallel_loop3A_472 : i32 to index
          %parallel_loop3A_480 = arith.index_cast %parallel_loop3A_478 : i32 to index
          %parallel_loop3A_481 = tpu.vector_load %arg11[%parallel_loop3A_479, %parallel_loop3A_480] {strides = array<i32>} : memref<64x128xf32, #tpu.memory_space<vmem>>, vector<16xf32>,
          tpu.vector_store %arg11[%parallel_loop3A_479, %parallel_loop3A_480], %parallel_loop3A_476 {strides = array<i32>} : memref<64x128xf32, #tpu.memory_space<vmem>>, vector<16xf32>,
        } {sc.loop_unroll_factor = 8 : i64, sc.parallel_access}
      } {sc.loop_unroll_factor = 1 : i64, sc.parallel_access}
      %mul3A_341 = arith.constant 4 : i32
      %mul3A_342 = arith.muli %add3A, %mul3A_341 : i32
      %add3A_343 = arith.addi %mul3A_342, %add3A_332 : i32
      %add3A_344 = arith.constant 0 : i32
      %add3A_345 = arith.addi %add3A_344, %add3A_343 : i32
      %mul3A_346 = arith.constant 8 : i32
      %mul3A_347 = arith.muli %add3A_345, %mul3A_346 : i32
      %dma_start3A_348 = arith.constant 0 : i32
      %dma_start3A_349 = arith.constant 0 : i32
      %dma_start3A_350 = tpu.memref_slice %arg11[%dma_start3A_348, %dma_start3A_349] : memref<64x128xf32, #tpu.memory_space<vmem>> -> memref<8x128xf32, #tpu.memory_space<vmem>>
      %dma_start3A_351 = arith.constant 0 : i32
      %dma_start3A_352 = tpu.memref_slice %arg5[%mul3A_347, %dma_start3A_351] : memref<8192x128xf32, #tpu.memory_space<hbm>> -> memref<8x128xf32, #tpu.memory_space<hbm>>
      %dma_start3A_353 = arith.constant 0 : i32
      %dma_start3A_354 = tpu.memref_slice %arg5[%mul3A_347, %dma_start3A_353] : memref<8192x128xf32, #tpu.memory_space<hbm>> -> memref<8x128xf32, #tpu.memory_space<hbm>>
      %dma_start3A_355 = arith.constant 0 : i32
      %dma_start3A_356 = arith.constant 0 : i32
      %dma_start3A_357 = tpu.memref_slice %arg11[%dma_start3A_355, %dma_start3A_356] : memref<64x128xf32, #tpu.memory_space<vmem>> -> memref<8x128xf32, #tpu.memory_space<vmem>>
      tpu.enqueue_dma source(%dma_start3A_357 : memref<8x128xf32, #tpu.memory_space<vmem>>) target(%dma_start3A_354 : memref<8x128xf32, #tpu.memory_space<hbm>>) target_semaphore(%arg13 : memref<!tpu.dma_semaphore, #tpu.memory_space<semaphore_mem>>)
      %add3A_358 = arith.constant 128 : i32
      %add3A_359 = arith.addi %add3A_358, %add3A_343 : i32
      %mul3A_360 = arith.constant 8 : i32
      %mul3A_361 = arith.muli %add3A_359, %mul3A_360 : i32
      %dma_start3A_362 = arith.constant 8 : i32
      %dma_start3A_363 = arith.constant 0 : i32
      %dma_start3A_364 = tpu.memref_slice %arg11[%dma_start3A_362, %dma_start3A_363] : memref<64x128xf32, #tpu.memory_space<vmem>> -> memref<8x128xf32, #tpu.memory_space<vmem>>
      %dma_start3A_365 = arith.constant 0 : i32
      %dma_start3A_366 = tpu.memref_slice %arg5[%mul3A_361, %dma_start3A_365] : memref<8192x128xf32, #tpu.memory_space<hbm>> -> memref<8x128xf32, #tpu.memory_space<hbm>>
      %dma_start3A_367 = arith.constant 0 : i32
      %dma_start3A_368 = tpu.memref_slice %arg5[%mul3A_361, %dma_start3A_367] : memref<8192x128xf32, #tpu.memory_space<hbm>> -> memref<8x128xf32, #tpu.memory_space<hbm>>
      %dma_start3A_369 = arith.constant 8 : i32
      %dma_start3A_370 = arith.constant 0 : i32
      %dma_start3A_371 = tpu.memref_slice %arg11[%dma_start3A_369, %dma_start3A_370] : memref<64x128xf32, #tpu.memory_space<vmem>> -> memref<8x128xf32, #tpu.memory_space<vmem>>
      tpu.enqueue_dma source(%dma_start3A_371 : memref<8x128xf32, #tpu.memory_space<vmem>>) target(%dma_start3A_368 : memref<8x128xf32, #tpu.memory_space<hbm>>) target_semaphore(%arg13 : memref<!tpu.dma_semaphore, #tpu.memory_space<semaphore_mem>>)
      %add3A_372 = arith.constant 256 : i32
      %add3A_373 = arith.addi %add3A_372, %add3A_343 : i32
      %mul3A_374 = arith.constant 8 : i32
      %mul3A_375 = arith.muli %add3A_373, %mul3A_374 : i32
      %dma_start3A_376 = arith.constant 16 : i32
      %dma_start3A_377 = arith.constant 0 : i32
      %dma_start3A_378 = tpu.memref_slice %arg11[%dma_start3A_376, %dma_start3A_377] : memref<64x128xf32, #tpu.memory_space<vmem>> -> memref<8x128xf32, #tpu.memory_space<vmem>>
      %dma_start3A_379 = arith.constant 0 : i32
      %dma_start3A_380 = tpu.memref_slice %arg5[%mul3A_375, %dma_start3A_379] : memref<8192x128xf32, #tpu.memory_space<hbm>> -> memref<8x128xf32, #tpu.memory_space<hbm>>
      %dma_start3A_381 = arith.constant 0 : i32
      %dma_start3A_382 = tpu.memref_slice %arg5[%mul3A_375, %dma_start3A_381] : memref<8192x128xf32, #tpu.memory_space<hbm>> -> memref<8x128xf32, #tpu.memory_space<hbm>>
      %dma_start3A_383 = arith.constant 16 : i32
      %dma_start3A_384 = arith.constant 0 : i32
      %dma_start3A_385 = tpu.memref_slice %arg11[%dma_start3A_383, %dma_start3A_384] : memref<64x128xf32, #tpu.memory_space<vmem>> -> memref<8x128xf32, #tpu.memory_space<vmem>>
      tpu.enqueue_dma source(%dma_start3A_385 : memref<8x128xf32, #tpu.memory_space<vmem>>) target(%dma_start3A_382 : memref<8x128xf32, #tpu.memory_space<hbm>>) target_semaphore(%arg13 : memref<!tpu.dma_semaphore, #tpu.memory_space<semaphore_mem>>)
      %add3A_386 = arith.constant 384 : i32
      %add3A_387 = arith.addi %add3A_386, %add3A_343 : i32
      %mul3A_388 = arith.constant 8 : i32
      %mul3A_389 = arith.muli %add3A_387, %mul3A_388 : i32
      %dma_start3A_390 = arith.constant 24 : i32
      %dma_start3A_391 = arith.constant 0 : i32
      %dma_start3A_392 = tpu.memref_slice %arg11[%dma_start3A_390, %dma_start3A_391] : memref<64x128xf32, #tpu.memory_space<vmem>> -> memref<8x128xf32, #tpu.memory_space<vmem>>
      %dma_start3A_393 = arith.constant 0 : i32
      %dma_start3A_394 = tpu.memref_slice %arg5[%mul3A_389, %dma_start3A_393] : memref<8192x128xf32, #tpu.memory_space<hbm>> -> memref<8x128xf32, #tpu.memory_space<hbm>>
      %dma_start3A_395 = arith.constant 0 : i32
      %dma_start3A_396 = tpu.memref_slice %arg5[%mul3A_389, %dma_start3A_395] : memref<8192x128xf32, #tpu.memory_space<hbm>> -> memref<8x128xf32, #tpu.memory_space<hbm>>
      %dma_start3A_397 = arith.constant 24 : i32
      %dma_start3A_398 = arith.constant 0 : i32
      %dma_start3A_399 = tpu.memref_slice %arg11[%dma_start3A_397, %dma_start3A_398] : memref<64x128xf32, #tpu.memory_space<vmem>> -> memref<8x128xf32, #tpu.memory_space<vmem>>
      tpu.enqueue_dma source(%dma_start3A_399 : memref<8x128xf32, #tpu.memory_space<vmem>>) target(%dma_start3A_396 : memref<8x128xf32, #tpu.memory_space<hbm>>) target_semaphore(%arg13 : memref<!tpu.dma_semaphore, #tpu.memory_space<semaphore_mem>>)
      %add3A_400 = arith.constant 512 : i32
      %add3A_401 = arith.addi %add3A_400, %add3A_343 : i32
      %mul3A_402 = arith.constant 8 : i32
      %mul3A_403 = arith.muli %add3A_401, %mul3A_402 : i32
      %dma_start3A_404 = arith.constant 32 : i32
      %dma_start3A_405 = arith.constant 0 : i32
      %dma_start3A_406 = tpu.memref_slice %arg11[%dma_start3A_404, %dma_start3A_405] : memref<64x128xf32, #tpu.memory_space<vmem>> -> memref<8x128xf32, #tpu.memory_space<vmem>>
      %dma_start3A_407 = arith.constant 0 : i32
      %dma_start3A_408 = tpu.memref_slice %arg5[%mul3A_403, %dma_start3A_407] : memref<8192x128xf32, #tpu.memory_space<hbm>> -> memref<8x128xf32, #tpu.memory_space<hbm>>
      %dma_start3A_409 = arith.constant 0 : i32
      %dma_start3A_410 = tpu.memref_slice %arg5[%mul3A_403, %dma_start3A_409] : memref<8192x128xf32, #tpu.memory_space<hbm>> -> memref<8x128xf32, #tpu.memory_space<hbm>>
      %dma_start3A_411 = arith.constant 32 : i32
      %dma_start3A_412 = arith.constant 0 : i32
      %dma_start3A_413 = tpu.memref_slice %arg11[%dma_start3A_411, %dma_start3A_412] : memref<64x128xf32, #tpu.memory_space<vmem>> -> memref<8x128xf32, #tpu.memory_space<vmem>>
      tpu.enqueue_dma source(%dma_start3A_413 : memref<8x128xf32, #tpu.memory_space<vmem>>) target(%dma_start3A_410 : memref<8x128xf32, #tpu.memory_space<hbm>>) target_semaphore(%arg13 : memref<!tpu.dma_semaphore, #tpu.memory_space<semaphore_mem>>)
      %add3A_414 = arith.constant 640 : i32
      %add3A_415 = arith.addi %add3A_414, %add3A_343 : i32
      %mul3A_416 = arith.constant 8 : i32
      %mul3A_417 = arith.muli %add3A_415, %mul3A_416 : i32
      %dma_start3A_418 = arith.constant 40 : i32
      %dma_start3A_419 = arith.constant 0 : i32
      %dma_start3A_420 = tpu.memref_slice %arg11[%dma_start3A_418, %dma_start3A_419] : memref<64x128xf32, #tpu.memory_space<vmem>> -> memref<8x128xf32, #tpu.memory_space<vmem>>
      %dma_start3A_421 = arith.constant 0 : i32
      %dma_start3A_422 = tpu.memref_slice %arg5[%mul3A_417, %dma_start3A_421] : memref<8192x128xf32, #tpu.memory_space<hbm>> -> memref<8x128xf32, #tpu.memory_space<hbm>>
      %dma_start3A_423 = arith.constant 0 : i32
      %dma_start3A_424 = tpu.memref_slice %arg5[%mul3A_417, %dma_start3A_423] : memref<8192x128xf32, #tpu.memory_space<hbm>> -> memref<8x128xf32, #tpu.memory_space<hbm>>
      %dma_start3A_425 = arith.constant 40 : i32
      %dma_start3A_426 = arith.constant 0 : i32
      %dma_start3A_427 = tpu.memref_slice %arg11[%dma_start3A_425, %dma_start3A_426] : memref<64x128xf32, #tpu.memory_space<vmem>> -> memref<8x128xf32, #tpu.memory_space<vmem>>
      tpu.enqueue_dma source(%dma_start3A_427 : memref<8x128xf32, #tpu.memory_space<vmem>>) target(%dma_start3A_424 : memref<8x128xf32, #tpu.memory_space<hbm>>) target_semaphore(%arg13 : memref<!tpu.dma_semaphore, #tpu.memory_space<semaphore_mem>>)
      %add3A_428 = arith.constant 768 : i32
      %add3A_429 = arith.addi %add3A_428, %add3A_343 : i32
      %mul3A_430 = arith.constant 8 : i32
      %mul3A_431 = arith.muli %add3A_429, %mul3A_430 : i32
      %dma_start3A_432 = arith.constant 48 : i32
      %dma_start3A_433 = arith.constant 0 : i32
      %dma_start3A_434 = tpu.memref_slice %arg11[%dma_start3A_432, %dma_start3A_433] : memref<64x128xf32, #tpu.memory_space<vmem>> -> memref<8x128xf32, #tpu.memory_space<vmem>>
      %dma_start3A_435 = arith.constant 0 : i32
      %dma_start3A_436 = tpu.memref_slice %arg5[%mul3A_431, %dma_start3A_435] : memref<8192x128xf32, #tpu.memory_space<hbm>> -> memref<8x128xf32, #tpu.memory_space<hbm>>
      %dma_start3A_437 = arith.constant 0 : i32
      %dma_start3A_438 = tpu.memref_slice %arg5[%mul3A_431, %dma_start3A_437] : memref<8192x128xf32, #tpu.memory_space<hbm>> -> memref<8x128xf32, #tpu.memory_space<hbm>>
      %dma_start3A_439 = arith.constant 48 : i32
      %dma_start3A_440 = arith.constant 0 : i32
      %dma_start3A_441 = tpu.memref_slice %arg11[%dma_start3A_439, %dma_start3A_440] : memref<64x128xf32, #tpu.memory_space<vmem>> -> memref<8x128xf32, #tpu.memory_space<vmem>>
      tpu.enqueue_dma source(%dma_start3A_441 : memref<8x128xf32, #tpu.memory_space<vmem>>) target(%dma_start3A_438 : memref<8x128xf32, #tpu.memory_space<hbm>>) target_semaphore(%arg13 : memref<!tpu.dma_semaphore, #tpu.memory_space<semaphore_mem>>)
      %add3A_442 = arith.constant 896 : i32
      %add3A_443 = arith.addi %add3A_442, %add3A_343 : i32
      %mul3A_444 = arith.constant 8 : i32
      %mul3A_445 = arith.muli %add3A_443, %mul3A_444 : i32
      %dma_start3A_446 = arith.constant 56 : i32
      %dma_start3A_447 = arith.constant 0 : i32
      %dma_start3A_448 = tpu.memref_slice %arg11[%dma_start3A_446, %dma_start3A_447] : memref<64x128xf32, #tpu.memory_space<vmem>> -> memref<8x128xf32, #tpu.memory_space<vmem>>
      %dma_start3A_449 = arith.constant 0 : i32
      %dma_start3A_450 = tpu.memref_slice %arg5[%mul3A_445, %dma_start3A_449] : memref<8192x128xf32, #tpu.memory_space<hbm>> -> memref<8x128xf32, #tpu.memory_space<hbm>>
      %dma_start3A_451 = arith.constant 0 : i32
      %dma_start3A_452 = tpu.memref_slice %arg5[%mul3A_445, %dma_start3A_451] : memref<8192x128xf32, #tpu.memory_space<hbm>> -> memref<8x128xf32, #tpu.memory_space<hbm>>
      %dma_start3A_453 = arith.constant 56 : i32
      %dma_start3A_454 = arith.constant 0 : i32
      %dma_start3A_455 = tpu.memref_slice %arg11[%dma_start3A_453, %dma_start3A_454] : memref<64x128xf32, #tpu.memory_space<vmem>> -> memref<8x128xf32, #tpu.memory_space<vmem>>
      tpu.enqueue_dma source(%dma_start3A_455 : memref<8x128xf32, #tpu.memory_space<vmem>>) target(%dma_start3A_452 : memref<8x128xf32, #tpu.memory_space<hbm>>) target_semaphore(%arg13 : memref<!tpu.dma_semaphore, #tpu.memory_space<semaphore_mem>>)
    }
    %scan3A_8 = arith.constant 2 : i32
    %dma_wait3A = arith.constant 0 : i32
    %dma_wait3A_9 = arith.constant 0 : i32
    %dma_wait3A_10 = tpu.memref_slice %arg10[%dma_wait3A, %dma_wait3A_9] : memref<64x128xf32, #tpu.memory_space<vmem>> -> memref<8x128xf32, #tpu.memory_space<vmem>>
    %dma_wait3A_11 = arith.constant 0 : i32
    %dma_wait3A_12 = arith.constant 0 : i32
    %dma_wait3A_13 = tpu.memref_slice %arg5[%dma_wait3A_11, %dma_wait3A_12] : memref<8192x128xf32, #tpu.memory_space<hbm>> -> memref<8x128xf32, #tpu.memory_space<hbm>>
    %dma_wait3A_14 = arith.constant 0 : i32
    %dma_wait3A_15 = arith.constant 0 : i32
    %dma_wait3A_16 = tpu.memref_slice %arg5[%dma_wait3A_14, %dma_wait3A_15] : memref<8192x128xf32, #tpu.memory_space<hbm>> -> memref<8x128xf32, #tpu.memory_space<hbm>>
    %dma_wait3A_17 = arith.constant 0 : i32
    %dma_wait3A_18 = arith.constant 0 : i32
    %dma_wait3A_19 = tpu.memref_slice %arg10[%dma_wait3A_17, %dma_wait3A_18] : memref<64x128xf32, #tpu.memory_space<vmem>> -> memref<8x128xf32, #tpu.memory_space<vmem>>
    tpu.wait_dma2 semaphore(%arg13 : memref<!tpu.dma_semaphore, #tpu.memory_space<semaphore_mem>>) src(%dma_wait3A_19 : memref<8x128xf32, #tpu.memory_space<vmem>>) dst(%dma_wait3A_16 : memref<8x128xf32, #tpu.memory_space<hbm>>)
    %dma_wait3A_20 = arith.constant 8 : i32
    %dma_wait3A_21 = arith.constant 0 : i32
    %dma_wait3A_22 = tpu.memref_slice %arg10[%dma_wait3A_20, %dma_wait3A_21] : memref<64x128xf32, #tpu.memory_space<vmem>> -> memref<8x128xf32, #tpu.memory_space<vmem>>
    %dma_wait3A_23 = arith.constant 1024 : i32
    %dma_wait3A_24 = arith.constant 0 : i32
    %dma_wait3A_25 = tpu.memref_slice %arg5[%dma_wait3A_23, %dma_wait3A_24] : memref<8192x128xf32, #tpu.memory_space<hbm>> -> memref<8x128xf32, #tpu.memory_space<hbm>>
    %dma_wait3A_26 = arith.constant 1024 : i32
    %dma_wait3A_27 = arith.constant 0 : i32
    %dma_wait3A_28 = tpu.memref_slice %arg5[%dma_wait3A_26, %dma_wait3A_27] : memref<8192x128xf32, #tpu.memory_space<hbm>> -> memref<8x128xf32, #tpu.memory_space<hbm>>
    %dma_wait3A_29 = arith.constant 8 : i32
    %dma_wait3A_30 = arith.constant 0 : i32
    %dma_wait3A_31 = tpu.memref_slice %arg10[%dma_wait3A_29, %dma_wait3A_30] : memref<64x128xf32, #tpu.memory_space<vmem>> -> memref<8x128xf32, #tpu.memory_space<vmem>>
    tpu.wait_dma2 semaphore(%arg13 : memref<!tpu.dma_semaphore, #tpu.memory_space<semaphore_mem>>) src(%dma_wait3A_31 : memref<8x128xf32, #tpu.memory_space<vmem>>) dst(%dma_wait3A_28 : memref<8x128xf32, #tpu.memory_space<hbm>>)
    %dma_wait3A_32 = arith.constant 16 : i32
    %dma_wait3A_33 = arith.constant 0 : i32
    %dma_wait3A_34 = tpu.memref_slice %arg10[%dma_wait3A_32, %dma_wait3A_33] : memref<64x128xf32, #tpu.memory_space<vmem>> -> memref<8x128xf32, #tpu.memory_space<vmem>>
    %dma_wait3A_35 = arith.constant 2048 : i32
    %dma_wait3A_36 = arith.constant 0 : i32
    %dma_wait3A_37 = tpu.memref_slice %arg5[%dma_wait3A_35, %dma_wait3A_36] : memref<8192x128xf32, #tpu.memory_space<hbm>> -> memref<8x128xf32, #tpu.memory_space<hbm>>
    %dma_wait3A_38 = arith.constant 2048 : i32
    %dma_wait3A_39 = arith.constant 0 : i32
    %dma_wait3A_40 = tpu.memref_slice %arg5[%dma_wait3A_38, %dma_wait3A_39] : memref<8192x128xf32, #tpu.memory_space<hbm>> -> memref<8x128xf32, #tpu.memory_space<hbm>>
    %dma_wait3A_41 = arith.constant 16 : i32
    %dma_wait3A_42 = arith.constant 0 : i32
    %dma_wait3A_43 = tpu.memref_slice %arg10[%dma_wait3A_41, %dma_wait3A_42] : memref<64x128xf32, #tpu.memory_space<vmem>> -> memref<8x128xf32, #tpu.memory_space<vmem>>
    tpu.wait_dma2 semaphore(%arg13 : memref<!tpu.dma_semaphore, #tpu.memory_space<semaphore_mem>>) src(%dma_wait3A_43 : memref<8x128xf32, #tpu.memory_space<vmem>>) dst(%dma_wait3A_40 : memref<8x128xf32, #tpu.memory_space<hbm>>)
    %dma_wait3A_44 = arith.constant 24 : i32
    %dma_wait3A_45 = arith.constant 0 : i32
    %dma_wait3A_46 = tpu.memref_slice %arg10[%dma_wait3A_44, %dma_wait3A_45] : memref<64x128xf32, #tpu.memory_space<vmem>> -> memref<8x128xf32, #tpu.memory_space<vmem>>
    %dma_wait3A_47 = arith.constant 3072 : i32
    %dma_wait3A_48 = arith.constant 0 : i32
    %dma_wait3A_49 = tpu.memref_slice %arg5[%dma_wait3A_47, %dma_wait3A_48] : memref<8192x128xf32, #tpu.memory_space<hbm>> -> memref<8x128xf32, #tpu.memory_space<hbm>>
    %dma_wait3A_50 = arith.constant 3072 : i32
    %dma_wait3A_51 = arith.constant 0 : i32
    %dma_wait3A_52 = tpu.memref_slice %arg5[%dma_wait3A_50, %dma_wait3A_51] : memref<8192x128xf32, #tpu.memory_space<hbm>> -> memref<8x128xf32, #tpu.memory_space<hbm>>
    %dma_wait3A_53 = arith.constant 24 : i32
    %dma_wait3A_54 = arith.constant 0 : i32
    %dma_wait3A_55 = tpu.memref_slice %arg10[%dma_wait3A_53, %dma_wait3A_54] : memref<64x128xf32, #tpu.memory_space<vmem>> -> memref<8x128xf32, #tpu.memory_space<vmem>>
    tpu.wait_dma2 semaphore(%arg13 : memref<!tpu.dma_semaphore, #tpu.memory_space<semaphore_mem>>) src(%dma_wait3A_55 : memref<8x128xf32, #tpu.memory_space<vmem>>) dst(%dma_wait3A_52 : memref<8x128xf32, #tpu.memory_space<hbm>>)
    %dma_wait3A_56 = arith.constant 32 : i32
    %dma_wait3A_57 = arith.constant 0 : i32
    %dma_wait3A_58 = tpu.memref_slice %arg10[%dma_wait3A_56, %dma_wait3A_57] : memref<64x128xf32, #tpu.memory_space<vmem>> -> memref<8x128xf32, #tpu.memory_space<vmem>>
    %dma_wait3A_59 = arith.constant 4096 : i32
    %dma_wait3A_60 = arith.constant 0 : i32
    %dma_wait3A_61 = tpu.memref_slice %arg5[%dma_wait3A_59, %dma_wait3A_60] : memref<8192x128xf32, #tpu.memory_space<hbm>> -> memref<8x128xf32, #tpu.memory_space<hbm>>
    %dma_wait3A_62 = arith.constant 4096 : i32
    %dma_wait3A_63 = arith.constant 0 : i32
    %dma_wait3A_64 = tpu.memref_slice %arg5[%dma_wait3A_62, %dma_wait3A_63] : memref<8192x128xf32, #tpu.memory_space<hbm>> -> memref<8x128xf32, #tpu.memory_space<hbm>>
    %dma_wait3A_65 = arith.constant 32 : i32
    %dma_wait3A_66 = arith.constant 0 : i32
    %dma_wait3A_67 = tpu.memref_slice %arg10[%dma_wait3A_65, %dma_wait3A_66] : memref<64x128xf32, #tpu.memory_space<vmem>> -> memref<8x128xf32, #tpu.memory_space<vmem>>
    tpu.wait_dma2 semaphore(%arg13 : memref<!tpu.dma_semaphore, #tpu.memory_space<semaphore_mem>>) src(%dma_wait3A_67 : memref<8x128xf32, #tpu.memory_space<vmem>>) dst(%dma_wait3A_64 : memref<8x128xf32, #tpu.memory_space<hbm>>)
    %dma_wait3A_68 = arith.constant 40 : i32
    %dma_wait3A_69 = arith.constant 0 : i32
    %dma_wait3A_70 = tpu.memref_slice %arg10[%dma_wait3A_68, %dma_wait3A_69] : memref<64x128xf32, #tpu.memory_space<vmem>> -> memref<8x128xf32, #tpu.memory_space<vmem>>
    %dma_wait3A_71 = arith.constant 5120 : i32
    %dma_wait3A_72 = arith.constant 0 : i32
    %dma_wait3A_73 = tpu.memref_slice %arg5[%dma_wait3A_71, %dma_wait3A_72] : memref<8192x128xf32, #tpu.memory_space<hbm>> -> memref<8x128xf32, #tpu.memory_space<hbm>>
    %dma_wait3A_74 = arith.constant 5120 : i32
    %dma_wait3A_75 = arith.constant 0 : i32
    %dma_wait3A_76 = tpu.memref_slice %arg5[%dma_wait3A_74, %dma_wait3A_75] : memref<8192x128xf32, #tpu.memory_space<hbm>> -> memref<8x128xf32, #tpu.memory_space<hbm>>
    %dma_wait3A_77 = arith.constant 40 : i32
    %dma_wait3A_78 = arith.constant 0 : i32
    %dma_wait3A_79 = tpu.memref_slice %arg10[%dma_wait3A_77, %dma_wait3A_78] : memref<64x128xf32, #tpu.memory_space<vmem>> -> memref<8x128xf32, #tpu.memory_space<vmem>>
    tpu.wait_dma2 semaphore(%arg13 : memref<!tpu.dma_semaphore, #tpu.memory_space<semaphore_mem>>) src(%dma_wait3A_79 : memref<8x128xf32, #tpu.memory_space<vmem>>) dst(%dma_wait3A_76 : memref<8x128xf32, #tpu.memory_space<hbm>>)
    %dma_wait3A_80 = arith.constant 48 : i32
    %dma_wait3A_81 = arith.constant 0 : i32
    %dma_wait3A_82 = tpu.memref_slice %arg10[%dma_wait3A_80, %dma_wait3A_81] : memref<64x128xf32, #tpu.memory_space<vmem>> -> memref<8x128xf32, #tpu.memory_space<vmem>>
    %dma_wait3A_83 = arith.constant 6144 : i32
    %dma_wait3A_84 = arith.constant 0 : i32
    %dma_wait3A_85 = tpu.memref_slice %arg5[%dma_wait3A_83, %dma_wait3A_84] : memref<8192x128xf32, #tpu.memory_space<hbm>> -> memref<8x128xf32, #tpu.memory_space<hbm>>
    %dma_wait3A_86 = arith.constant 6144 : i32
    %dma_wait3A_87 = arith.constant 0 : i32
    %dma_wait3A_88 = tpu.memref_slice %arg5[%dma_wait3A_86, %dma_wait3A_87] : memref<8192x128xf32, #tpu.memory_space<hbm>> -> memref<8x128xf32, #tpu.memory_space<hbm>>
    %dma_wait3A_89 = arith.constant 48 : i32
    %dma_wait3A_90 = arith.constant 0 : i32
    %dma_wait3A_91 = tpu.memref_slice %arg10[%dma_wait3A_89, %dma_wait3A_90] : memref<64x128xf32, #tpu.memory_space<vmem>> -> memref<8x128xf32, #tpu.memory_space<vmem>>
    tpu.wait_dma2 semaphore(%arg13 : memref<!tpu.dma_semaphore, #tpu.memory_space<semaphore_mem>>) src(%dma_wait3A_91 : memref<8x128xf32, #tpu.memory_space<vmem>>) dst(%dma_wait3A_88 : memref<8x128xf32, #tpu.memory_space<hbm>>)
    %dma_wait3A_92 = arith.constant 56 : i32
    %dma_wait3A_93 = arith.constant 0 : i32
    %dma_wait3A_94 = tpu.memref_slice %arg10[%dma_wait3A_92, %dma_wait3A_93] : memref<64x128xf32, #tpu.memory_space<vmem>> -> memref<8x128xf32, #tpu.memory_space<vmem>>
    %dma_wait3A_95 = arith.constant 7168 : i32
    %dma_wait3A_96 = arith.constant 0 : i32
    %dma_wait3A_97 = tpu.memref_slice %arg5[%dma_wait3A_95, %dma_wait3A_96] : memref<8192x128xf32, #tpu.memory_space<hbm>> -> memref<8x128xf32, #tpu.memory_space<hbm>>
    %dma_wait3A_98 = arith.constant 7168 : i32
    %dma_wait3A_99 = arith.constant 0 : i32
    %dma_wait3A_100 = tpu.memref_slice %arg5[%dma_wait3A_98, %dma_wait3A_99] : memref<8192x128xf32, #tpu.memory_space<hbm>> -> memref<8x128xf32, #tpu.memory_space<hbm>>
    %dma_wait3A_101 = arith.constant 56 : i32
    %dma_wait3A_102 = arith.constant 0 : i32
    %dma_wait3A_103 = tpu.memref_slice %arg10[%dma_wait3A_101, %dma_wait3A_102] : memref<64x128xf32, #tpu.memory_space<vmem>> -> memref<8x128xf32, #tpu.memory_space<vmem>>
    tpu.wait_dma2 semaphore(%arg13 : memref<!tpu.dma_semaphore, #tpu.memory_space<semaphore_mem>>) src(%dma_wait3A_103 : memref<8x128xf32, #tpu.memory_space<vmem>>) dst(%dma_wait3A_100 : memref<8x128xf32, #tpu.memory_space<hbm>>)
    %dma_wait3A_104 = arith.constant 0 : i32
    %dma_wait3A_105 = arith.constant 0 : i32
    %dma_wait3A_106 = tpu.memref_slice %arg11[%dma_wait3A_104, %dma_wait3A_105] : memref<64x128xf32, #tpu.memory_space<vmem>> -> memref<8x128xf32, #tpu.memory_space<vmem>>
    %dma_wait3A_107 = arith.constant 0 : i32
    %dma_wait3A_108 = arith.constant 0 : i32
    %dma_wait3A_109 = tpu.memref_slice %arg5[%dma_wait3A_107, %dma_wait3A_108] : memref<8192x128xf32, #tpu.memory_space<hbm>> -> memref<8x128xf32, #tpu.memory_space<hbm>>
    %dma_wait3A_110 = arith.constant 0 : i32
    %dma_wait3A_111 = arith.constant 0 : i32
    %dma_wait3A_112 = tpu.memref_slice %arg5[%dma_wait3A_110, %dma_wait3A_111] : memref<8192x128xf32, #tpu.memory_space<hbm>> -> memref<8x128xf32, #tpu.memory_space<hbm>>
    %dma_wait3A_113 = arith.constant 0 : i32
    %dma_wait3A_114 = arith.constant 0 : i32
    %dma_wait3A_115 = tpu.memref_slice %arg11[%dma_wait3A_113, %dma_wait3A_114] : memref<64x128xf32, #tpu.memory_space<vmem>> -> memref<8x128xf32, #tpu.memory_space<vmem>>
    tpu.wait_dma2 semaphore(%arg13 : memref<!tpu.dma_semaphore, #tpu.memory_space<semaphore_mem>>) src(%dma_wait3A_115 : memref<8x128xf32, #tpu.memory_space<vmem>>) dst(%dma_wait3A_112 : memref<8x128xf32, #tpu.memory_space<hbm>>)
    %dma_wait3A_116 = arith.constant 8 : i32
    %dma_wait3A_117 = arith.constant 0 : i32
    %dma_wait3A_118 = tpu.memref_slice %arg11[%dma_wait3A_116, %dma_wait3A_117] : memref<64x128xf32, #tpu.memory_space<vmem>> -> memref<8x128xf32, #tpu.memory_space<vmem>>
    %dma_wait3A_119 = arith.constant 1024 : i32
    %dma_wait3A_120 = arith.constant 0 : i32
    %dma_wait3A_121 = tpu.memref_slice %arg5[%dma_wait3A_119, %dma_wait3A_120] : memref<8192x128xf32, #tpu.memory_space<hbm>> -> memref<8x128xf32, #tpu.memory_space<hbm>>
    %dma_wait3A_122 = arith.constant 1024 : i32
    %dma_wait3A_123 = arith.constant 0 : i32
    %dma_wait3A_124 = tpu.memref_slice %arg5[%dma_wait3A_122, %dma_wait3A_123] : memref<8192x128xf32, #tpu.memory_space<hbm>> -> memref<8x128xf32, #tpu.memory_space<hbm>>
    %dma_wait3A_125 = arith.constant 8 : i32
    %dma_wait3A_126 = arith.constant 0 : i32
    %dma_wait3A_127 = tpu.memref_slice %arg11[%dma_wait3A_125, %dma_wait3A_126] : memref<64x128xf32, #tpu.memory_space<vmem>> -> memref<8x128xf32, #tpu.memory_space<vmem>>
    tpu.wait_dma2 semaphore(%arg13 : memref<!tpu.dma_semaphore, #tpu.memory_space<semaphore_mem>>) src(%dma_wait3A_127 : memref<8x128xf32, #tpu.memory_space<vmem>>) dst(%dma_wait3A_124 : memref<8x128xf32, #tpu.memory_space<hbm>>)
    %dma_wait3A_128 = arith.constant 16 : i32
    %dma_wait3A_129 = arith.constant 0 : i32
    %dma_wait3A_130 = tpu.memref_slice %arg11[%dma_wait3A_128, %dma_wait3A_129] : memref<64x128xf32, #tpu.memory_space<vmem>> -> memref<8x128xf32, #tpu.memory_space<vmem>>
    %dma_wait3A_131 = arith.constant 2048 : i32
    %dma_wait3A_132 = arith.constant 0 : i32
    %dma_wait3A_133 = tpu.memref_slice %arg5[%dma_wait3A_131, %dma_wait3A_132] : memref<8192x128xf32, #tpu.memory_space<hbm>> -> memref<8x128xf32, #tpu.memory_space<hbm>>
    %dma_wait3A_134 = arith.constant 2048 : i32
    %dma_wait3A_135 = arith.constant 0 : i32
    %dma_wait3A_136 = tpu.memref_slice %arg5[%dma_wait3A_134, %dma_wait3A_135] : memref<8192x128xf32, #tpu.memory_space<hbm>> -> memref<8x128xf32, #tpu.memory_space<hbm>>
    %dma_wait3A_137 = arith.constant 16 : i32
    %dma_wait3A_138 = arith.constant 0 : i32
    %dma_wait3A_139 = tpu.memref_slice %arg11[%dma_wait3A_137, %dma_wait3A_138] : memref<64x128xf32, #tpu.memory_space<vmem>> -> memref<8x128xf32, #tpu.memory_space<vmem>>
    tpu.wait_dma2 semaphore(%arg13 : memref<!tpu.dma_semaphore, #tpu.memory_space<semaphore_mem>>) src(%dma_wait3A_139 : memref<8x128xf32, #tpu.memory_space<vmem>>) dst(%dma_wait3A_136 : memref<8x128xf32, #tpu.memory_space<hbm>>)
    %dma_wait3A_140 = arith.constant 24 : i32
    %dma_wait3A_141 = arith.constant 0 : i32
    %dma_wait3A_142 = tpu.memref_slice %arg11[%dma_wait3A_140, %dma_wait3A_141] : memref<64x128xf32, #tpu.memory_space<vmem>> -> memref<8x128xf32, #tpu.memory_space<vmem>>
    %dma_wait3A_143 = arith.constant 3072 : i32
    %dma_wait3A_144 = arith.constant 0 : i32
    %dma_wait3A_145 = tpu.memref_slice %arg5[%dma_wait3A_143, %dma_wait3A_144] : memref<8192x128xf32, #tpu.memory_space<hbm>> -> memref<8x128xf32, #tpu.memory_space<hbm>>
    %dma_wait3A_146 = arith.constant 3072 : i32
    %dma_wait3A_147 = arith.constant 0 : i32
    %dma_wait3A_148 = tpu.memref_slice %arg5[%dma_wait3A_146, %dma_wait3A_147] : memref<8192x128xf32, #tpu.memory_space<hbm>> -> memref<8x128xf32, #tpu.memory_space<hbm>>
    %dma_wait3A_149 = arith.constant 24 : i32
    %dma_wait3A_150 = arith.constant 0 : i32
    %dma_wait3A_151 = tpu.memref_slice %arg11[%dma_wait3A_149, %dma_wait3A_150] : memref<64x128xf32, #tpu.memory_space<vmem>> -> memref<8x128xf32, #tpu.memory_space<vmem>>
    tpu.wait_dma2 semaphore(%arg13 : memref<!tpu.dma_semaphore, #tpu.memory_space<semaphore_mem>>) src(%dma_wait3A_151 : memref<8x128xf32, #tpu.memory_space<vmem>>) dst(%dma_wait3A_148 : memref<8x128xf32, #tpu.memory_space<hbm>>)
    %dma_wait3A_152 = arith.constant 32 : i32
    %dma_wait3A_153 = arith.constant 0 : i32
    %dma_wait3A_154 = tpu.memref_slice %arg11[%dma_wait3A_152, %dma_wait3A_153] : memref<64x128xf32, #tpu.memory_space<vmem>> -> memref<8x128xf32, #tpu.memory_space<vmem>>
    %dma_wait3A_155 = arith.constant 4096 : i32
    %dma_wait3A_156 = arith.constant 0 : i32
    %dma_wait3A_157 = tpu.memref_slice %arg5[%dma_wait3A_155, %dma_wait3A_156] : memref<8192x128xf32, #tpu.memory_space<hbm>> -> memref<8x128xf32, #tpu.memory_space<hbm>>
    %dma_wait3A_158 = arith.constant 4096 : i32
    %dma_wait3A_159 = arith.constant 0 : i32
    %dma_wait3A_160 = tpu.memref_slice %arg5[%dma_wait3A_158, %dma_wait3A_159] : memref<8192x128xf32, #tpu.memory_space<hbm>> -> memref<8x128xf32, #tpu.memory_space<hbm>>
    %dma_wait3A_161 = arith.constant 32 : i32
    %dma_wait3A_162 = arith.constant 0 : i32
    %dma_wait3A_163 = tpu.memref_slice %arg11[%dma_wait3A_161, %dma_wait3A_162] : memref<64x128xf32, #tpu.memory_space<vmem>> -> memref<8x128xf32, #tpu.memory_space<vmem>>
    tpu.wait_dma2 semaphore(%arg13 : memref<!tpu.dma_semaphore, #tpu.memory_space<semaphore_mem>>) src(%dma_wait3A_163 : memref<8x128xf32, #tpu.memory_space<vmem>>) dst(%dma_wait3A_160 : memref<8x128xf32, #tpu.memory_space<hbm>>)
    %dma_wait3A_164 = arith.constant 40 : i32
    %dma_wait3A_165 = arith.constant 0 : i32
    %dma_wait3A_166 = tpu.memref_slice %arg11[%dma_wait3A_164, %dma_wait3A_165] : memref<64x128xf32, #tpu.memory_space<vmem>> -> memref<8x128xf32, #tpu.memory_space<vmem>>
    %dma_wait3A_167 = arith.constant 5120 : i32
    %dma_wait3A_168 = arith.constant 0 : i32
    %dma_wait3A_169 = tpu.memref_slice %arg5[%dma_wait3A_167, %dma_wait3A_168] : memref<8192x128xf32, #tpu.memory_space<hbm>> -> memref<8x128xf32, #tpu.memory_space<hbm>>
    %dma_wait3A_170 = arith.constant 5120 : i32
    %dma_wait3A_171 = arith.constant 0 : i32
    %dma_wait3A_172 = tpu.memref_slice %arg5[%dma_wait3A_170, %dma_wait3A_171] : memref<8192x128xf32, #tpu.memory_space<hbm>> -> memref<8x128xf32, #tpu.memory_space<hbm>>
    %dma_wait3A_173 = arith.constant 40 : i32
    %dma_wait3A_174 = arith.constant 0 : i32
    %dma_wait3A_175 = tpu.memref_slice %arg11[%dma_wait3A_173, %dma_wait3A_174] : memref<64x128xf32, #tpu.memory_space<vmem>> -> memref<8x128xf32, #tpu.memory_space<vmem>>
    tpu.wait_dma2 semaphore(%arg13 : memref<!tpu.dma_semaphore, #tpu.memory_space<semaphore_mem>>) src(%dma_wait3A_175 : memref<8x128xf32, #tpu.memory_space<vmem>>) dst(%dma_wait3A_172 : memref<8x128xf32, #tpu.memory_space<hbm>>)
    %dma_wait3A_176 = arith.constant 48 : i32
    %dma_wait3A_177 = arith.constant 0 : i32
    %dma_wait3A_178 = tpu.memref_slice %arg11[%dma_wait3A_176, %dma_wait3A_177] : memref<64x128xf32, #tpu.memory_space<vmem>> -> memref<8x128xf32, #tpu.memory_space<vmem>>
    %dma_wait3A_179 = arith.constant 6144 : i32
    %dma_wait3A_180 = arith.constant 0 : i32
    %dma_wait3A_181 = tpu.memref_slice %arg5[%dma_wait3A_179, %dma_wait3A_180] : memref<8192x128xf32, #tpu.memory_space<hbm>> -> memref<8x128xf32, #tpu.memory_space<hbm>>
    %dma_wait3A_182 = arith.constant 6144 : i32
    %dma_wait3A_183 = arith.constant 0 : i32
    %dma_wait3A_184 = tpu.memref_slice %arg5[%dma_wait3A_182, %dma_wait3A_183] : memref<8192x128xf32, #tpu.memory_space<hbm>> -> memref<8x128xf32, #tpu.memory_space<hbm>>
    %dma_wait3A_185 = arith.constant 48 : i32
    %dma_wait3A_186 = arith.constant 0 : i32
    %dma_wait3A_187 = tpu.memref_slice %arg11[%dma_wait3A_185, %dma_wait3A_186] : memref<64x128xf32, #tpu.memory_space<vmem>> -> memref<8x128xf32, #tpu.memory_space<vmem>>
    tpu.wait_dma2 semaphore(%arg13 : memref<!tpu.dma_semaphore, #tpu.memory_space<semaphore_mem>>) src(%dma_wait3A_187 : memref<8x128xf32, #tpu.memory_space<vmem>>) dst(%dma_wait3A_184 : memref<8x128xf32, #tpu.memory_space<hbm>>)
    %dma_wait3A_188 = arith.constant 56 : i32
    %dma_wait3A_189 = arith.constant 0 : i32
    %dma_wait3A_190 = tpu.memref_slice %arg11[%dma_wait3A_188, %dma_wait3A_189] : memref<64x128xf32, #tpu.memory_space<vmem>> -> memref<8x128xf32, #tpu.memory_space<vmem>>
    %dma_wait3A_191 = arith.constant 7168 : i32
    %dma_wait3A_192 = arith.constant 0 : i32
    %dma_wait3A_193 = tpu.memref_slice %arg5[%dma_wait3A_191, %dma_wait3A_192] : memref<8192x128xf32, #tpu.memory_space<hbm>> -> memref<8x128xf32, #tpu.memory_space<hbm>>
    %dma_wait3A_194 = arith.constant 7168 : i32
    %dma_wait3A_195 = arith.constant 0 : i32
    %dma_wait3A_196 = tpu.memref_slice %arg5[%dma_wait3A_194, %dma_wait3A_195] : memref<8192x128xf32, #tpu.memory_space<hbm>> -> memref<8x128xf32, #tpu.memory_space<hbm>>
    %dma_wait3A_197 = arith.constant 56 : i32
    %dma_wait3A_198 = arith.constant 0 : i32
    %dma_wait3A_199 = tpu.memref_slice %arg11[%dma_wait3A_197, %dma_wait3A_198] : memref<64x128xf32, #tpu.memory_space<vmem>> -> memref<8x128xf32, #tpu.memory_space<vmem>>
    tpu.wait_dma2 semaphore(%arg13 : memref<!tpu.dma_semaphore, #tpu.memory_space<semaphore_mem>>) src(%dma_wait3A_199 : memref<8x128xf32, #tpu.memory_space<vmem>>) dst(%dma_wait3A_196 : memref<8x128xf32, #tpu.memory_space<hbm>>)
    return
  }
}

</mosaic_0001>

<sc_bundles>
// kernel: _emotion_encode.3.cloned.1.call-start
scs
__scs_entry_jumppad:
0x0: {  	(pc) =	sbr.rel $0x88, $3  }
0x1: {  	(tag) =	ssettag $0x0;
	lr =	simm.s32 $0x1  }
0x2: {  	[smem:$0x3F9E] =	sst lr;
	_ =	strace $0xD0000000  }
0x3: {  	_ = 	snop  }
0x4: {  	_ = 	snop  }
0x5: {  	_ = 	snop  }
0x6: {  	_ = 	snop  }
0x7: {  	_ = 	snop  }
__scs_overlays_trampoline_lowered:
0x8: {  	[smem:$0x3FAD] =	sst s0  }
0x9: {  	[smem:$0x3FAE] =	sst s1  }
0xa: {  	[smem:$0x3FAF] =	sst s2  }
0xb: {  	[smem:$0x3FB0] =	sst s3  }
0xc: {  	[smem:$0x3FB1] =	sst s4  }
0xd: {  	[smem:$0x3FB2] =	sst s5  }
0xe: {  	[smem:$0x3FB3] =	sst s6  }
0xf: {  	[smem:$0x3FB4] =	sst s7  }
0x10: {  	[smem:$0x3FB5] =	sst s8  }
0x11: {  	[smem:$0x3FB6] =	sst s9;
	s0 =	simm.s32 @!p0 $0x0  }
0x12: {  	s1 =	sld [smem:$0x3F9C];
	s0 =	simm.s32 @p0 $0x1  }
0x13: {  	[smem:$0x3FB7] =	sst s0;
	s0 =	simm.s32 @!p1 $0x0  }
0x14: {  	s2 =	sld [smem:$0x3F9B];
	s0 =	simm.s32 @p1 $0x1  }
0x15: {  	[smem:$0x3FB8] =	sst s0;
	s0 =	simm.s32 @!p2 $0x0  }
0x16: {  	s3 =	sld [smem:$0x3FDB];
	s0 =	simm.s32 @p2 $0x1  }
0x17: {  	s4 =	simm.s32 $0x1BF5;
	[smem:$0x3FBA] =	sst s0  }
0x18: {  	s0 =	sld [smem:$0x3F9D];
	_ =	swait.ge [sflag:s4], $0x0  }
0x19: {  	s7 =	sld [smem:$0x3F9E]  }
0x1a: {  	s8 =	sadd.s32 $0xFFFFE003, lr  }
0x1b: {  	s9 =	sadd.s32 $0xFFFFFEF7, lr;
	s5 =	simm.s32 $0xFFFFFFFF;
	p2 =	slt.u32 s8, $0xFFFFF086  }
0x1c: {  	p1 =	slt.u32 s9, $0xF7A;
	s5 =	simm.s32 @!p2 $0x0  }
0x1d: {  	s5 =	simm.s32 @p1 $0x1;
	p0 =	seq.s32 s7, s2  }
0x1e: {  	s7 =	smul.u32 @!p0 $0xF7A, s2;
	p2 =	seq.s32 @!p0 s5, $0x0  }
0x1f: {  	s9 =	smul.u32 $0xF7A, s1;
	s8 =	simm.s32 @!p0 $0x1BF5;
	p2 =	por !p2, p0  }
0x20: {  	[sflag:s8] =	ssyncset.s32 @!p0 $0xFFFFF086;
	s6 =	sadd.s32 @!p0 s3, s7;
	s7 =	simm.s32 @!p0 $0x108  }
0x21: {  	s3 =	sadd.s32 s3, s9;
	s6 =	sadd.s32 @!p0 $0x88, s6;
	s7 =	simm.s32 @p2 $0x1082  }
0x22: {  	[simem:s7], [sflag:s8] =	dma.local @!p0 [hbm:s6], $0xF7A  }
0x23: {  	s9 =	sor.u32 $0xD0000000, s2;
	s6 =	simm.s32 $0x108;
	_ =	swait.ge @!p0 [sflag:s8], $0x0  }
0x24: {  	s3 =	sadd.s32 $0x88, s3;
	s6 =	simm.s32 @!p1 $0x1082;
	[sflag:s4] =	ssyncset.s32 $0xFFFFF086  }
0x25: {  	[simem:s6], [sflag:s4] =	dma.local [hbm:s3], $0xF7A  }
0x26: {  	[smem:$0x3F9E] =	sst s1;
	(tag) =	ssettag s2;
	_ =	strace s9  }
0x27: {  	s1 =	sld [smem:$0x3FAE]  }
0x28: {  	s2 =	sld [smem:$0x3FAF]  }
0x29: {  	s4 =	sld [smem:$0x3FB1]  }
0x2a: {  	p0 =	seq.s32 s5, $0x0;
	s5 =	sld [smem:$0x3FB2]  }
0x2b: {  	s6 =	sld [smem:$0x3FB3]  }
0x2c: {  	s7 =	sld [smem:$0x3FB4]  }
0x2d: {  	s3 =	simm.s32 $0x108;
	s8 =	sld [smem:$0x3FB5]  }
0x2e: {  	s3 =	simm.s32 @!p0 $0x1082;
	s9 =	sld [smem:$0x3FB6]  }
0x2f: {  	lr =	sadd.s32 s0, s3;
	s0 =	sld [smem:$0x3FAD]  }
0x30: {  	s3 =	sld [smem:$0x3FB0]  }
0x31: {  	[smem:$0x3FB9] =	sst s10  }
0x32: {  	s10 =	sld [smem:$0x3FB7];
	_ =	sdelay $0x3  }
0x33: {  	p0 =	seq.s32 s10, $0x1;
	s10 =	sld [smem:$0x3FB9];
	_ =	sdelay $0x3  }
0x34: {  	[smem:$0x3FB9] =	sst s10  }
0x35: {  	s10 =	sld [smem:$0x3FB8];
	_ =	sdelay $0x3  }
0x36: {  	p1 =	seq.s32 s10, $0x1;
	s10 =	sld [smem:$0x3FB9];
	_ =	sdelay $0x3  }
0x37: {  	[smem:$0x3FB9] =	sst s10  }
0x38: {  	s10 =	sld [smem:$0x3FBA]  }
0x39: {  	_ = 	snop;
	(pc) =	sbr.ind lr, $3  }
0x3a: {  	_ = 	snop  }
0x3b: {  	_ = 	snop  }
0x3c: {  	p2 =	seq.s32 s10, $0x1;
	s10 =	sld [smem:$0x3FB9]  }
0x3d: {  	_ =	shalt  }
0x3e: {  	_ =	shalt  }
0x3f: {  	_ =	shalt  }
0x40: {  	_ =	shalt  }
0x41: {  	_ =	shalt  }
0x42: {  	_ =	shalt  }
0x43: {  	_ =	shalt  }
0x44: {  	_ =	shalt  }
0x45: {  	_ =	shalt  }
0x46: {  	_ =	shalt  }
0x47: {  	_ =	shalt  }
0x48: {  	_ =	shalt  }
0x49: {  	_ =	shalt  }
0x4a: {  	_ =	shalt  }
0x4b: {  	_ =	shalt  }
0x4c: {  	_ =	shalt  }
0x4d: {  	_ =	shalt  }
0x4e: {  	_ =	shalt  }
0x4f: {  	_ =	shalt  }
0x50: {  	_ =	shalt  }
0x51: {  	_ =	shalt  }
0x52: {  	_ =	shalt  }
0x53: {  	_ =	shalt  }
0x54: {  	_ =	shalt  }
0x55: {  	_ =	shalt  }
0x56: {  	_ =	shalt  }
0x57: {  	_ =	shalt  }
0x58: {  	_ =	shalt  }
0x59: {  	_ =	shalt  }
0x5a: {  	_ =	shalt  }
0x5b: {  	_ =	shalt  }
0x5c: {  	_ =	shalt  }
0x5d: {  	_ =	shalt  }
0x5e: {  	_ =	shalt  }
0x5f: {  	_ =	shalt  }
0x60: {  	_ =	shalt  }
0x61: {  	_ =	shalt  }
0x62: {  	_ =	shalt  }
0x63: {  	_ =	shalt  }
0x64: {  	_ =	shalt  }
0x65: {  	_ =	shalt  }
0x66: {  	_ =	shalt  }
0x67: {  	_ =	shalt  }
0x68: {  	_ =	shalt  }
0x69: {  	_ =	shalt  }
0x6a: {  	_ =	shalt  }
0x6b: {  	_ =	shalt  }
0x6c: {  	_ =	shalt  }
0x6d: {  	_ =	shalt  }
0x6e: {  	_ =	shalt  }
0x6f: {  	_ =	shalt  }
0x70: {  	_ =	shalt  }
0x71: {  	_ =	shalt  }
0x72: {  	_ =	shalt  }
0x73: {  	_ =	shalt  }
0x74: {  	_ =	shalt  }
0x75: {  	_ =	shalt  }
0x76: {  	_ =	shalt  }
0x77: {  	_ =	shalt  }
0x78: {  	_ =	shalt  }
0x79: {  	_ =	shalt  }
0x7a: {  	_ =	shalt  }
0x7b: {  	_ =	shalt  }
0x7c: {  	_ =	shalt  }
0x7d: {  	_ =	shalt  }
0x7e: {  	_ =	shalt  }
0x7f: {  	_ =	shalt  }
0x80: {  	_ =	shalt  }
0x81: {  	_ =	shalt  }
0x82: {  	_ =	shalt  }
0x83: {  	_ =	shalt  }
0x84: {  	_ =	shalt  }
0x85: {  	_ =	shalt  }
0x86: {  	_ =	shalt  }
0x87: {  	_ =	shalt  }
.Lfunc_end0:
.L_simem_size_0:
called_computation_lowered:
.L_overlay_start_0:
0x88: {  	s2 =	sld [smem:$0x3FD9]  }
0x89: {  	s3 =	sld [smem:$0x3FFE];
	_ =	sdelay $0x1  }
0x8a: {  	s1 =	srdreg.scid  }
0x8b: {  	s0 =	sand.u32 $0x1, s1  }
0x8c: {  	s18 =	sshll.u32 s0, $0xA;
	s2 =	sadd.s32 s3, s2  }
0x8d: {  	s2 =	sadd.s32 s2, s18  }
0x8e: {  	[smem:$0x3FC5] =	sst s2  }
0x8f: {  	_ = 	snop  }
0x90: {  	s2 =	sld [smem:$0x3FC9]  }
0x91: {  	s19 =	sld [smem:$0x3FC8]  }
0x92: {  	s4 =	sld [smem:$0x3FC7]  }
0x93: {  	s5 =	sld [smem:$0x3FD0];
	(tm) =	ssettm $0x1  }
0x94: {  	s6 =	sld [smem:$0x3FFB];
	_ =	sdelay $0x3  }
0x95: {  	_ =	strace s6  }
0x96: {  	s6 =	sld [smem:$0x3FFC];
	_ =	sdelay $0x3  }
0x97: {  	_ =	strace s6  }
0x98: {  	s6 =	sld [smem:$0x3FFD];
	_ =	sdelay $0x3  }
0x99: {  	_ =	strace s6  }
0x9a: {  	_ =	strace $0x8FFFFFFF  }
0x9b: {  	s20 =	sld [smem:$0x3FDB];
	_ =	sdelay $0x1  }
0x9c: {  	s7 =	simm.s32 $_scs_section_size  }
0x9d: {  	s8 =	simm.s32 $_size__tile_overlayer_lowered;
	s9 =	simm.s32 $_tile_overlayer_lowered  }
0x9e: {  	s23 =	simm.s32 $0x1BFF;
	s22 =	sshll.u32 s9, $0x1;
	s6 =	sadd.s32 s7, s20  }
0x9f: {  	s10 =	simm.s32 $0x0;
	s21 =	sshll.u32 s8, $0x1;
	s8 =	sadd.s32 s22, s6  }
0xa0: {  	[timem:s10], [sflag:s23] =	dma.local [hbm:s8], s21  }
0xa1: {  	_ =	swait.ge [sflag:s23], s21  }
0xa2: {  	s7 =	ssub.s32 $0x0, s21;
	[sflag:s23] =	ssyncset.done $0x0  }
0xa3: {  	[sflag:s23] =	ssyncadd.s32 s7;
	_ =	sdelay $0x1  }
0xa4: {  	s24 =	simm.s32 $0x1B8B  }
0xa5: {  	_ =	swait.ge [sflag:s24], $0x1  }
0xa6: {  	[sflag:s24] =	ssyncset.done $0x0  }
0xa7: {  	s25 =	simm.s32 $0x1B8E;
	[sflag:s24] =	ssyncadd.s32 $0xFFFFFFFF  }
0xa8: {  	s26 =	simm.s32 $execute0_lowered;
	[smem:$0x3FD2] =	sst s25  }
0xa9: {  	s7 =	sshll.u32 s26, $0x1;
	_ =	strace $0x80000046;
	[dreg:$0x1] =	wrdreg $0xFFFFFFFF  }
0xaa: {  	s28 =	simm.s32 $_size_execute0_lowered;
	s6 =	sadd.s32 s6, s7;
	[dreg:$0x0] =	wrdreg $0x0  }
0xab: {  	s7 =	sshll.u32 s28, $0x1;
	[dreg:$0x2] =	wrdreg s6  }
0xac: {  	[dreg:$0x3] =	wrdreg s7  }
0xad: {  	[dreg:$0x4] =	wrdreg $0xC0  }
0xae: {  	_ =	task [dreg:s10], $0x5FFFF  }
0xaf: {  	[dreg:$0x1] =	wrdreg $0xFFFFFFFF  }
0xb0: {  	[dreg:$0x0] =	wrdreg $0x60  }
0xb1: {  	[dreg:$0x2] =	wrdreg s2  }
0xb2: {  	[dreg:$0x3] =	wrdreg s19  }
0xb3: {  	[dreg:$0x4] =	wrdreg s4  }
0xb4: {  	[dreg:$0x5] =	wrdreg s5  }
0xb5: {  	[dreg:$0x6] =	wrdreg $0x0  }
0xb6: {  	[dreg:$0x7] =	wrdreg $0x9  }
0xb7: {  	_ =	task.clear_ibuf [dreg:s10], $0x8FFFF;
	_ =	strace $0x90000046  }
0xb8: {  	s29 =	simm.s32 $0x9;
	_ =	strace $0x80000048  }
0xb9: {  	_ =	swait.ge [sflag:s29], $0x1  }
0xba: {  	[sflag:s29] =	ssyncadd.s32 $0xFFFFFFFF  }
0xbb: {  	_ =	strace $0x90000048  }
0xbc: {  	_ =	sfence  }
0xbd: {  	s30 =	sld [smem:$0x0];
	_ =	sdelay $0x2  }
0xbe: {  	s31 =	sshll.u32 s1, $0xD;
	s1 =	sshrl.u32 s1, $0x2  }
0xbf: {  	s3 =	sand.u32 $0x4000, s31;
	s1 =	sadd.s32 s1, s30  }
0xc0: {  	s0 =	sor.u32 s3, s0;
	s1 =	sshll.u32 s1, $0x11  }
0xc1: {  	s0 =	sor.u32 s1, s0  }
0xc2: {  	s0 =	sadd.s32 $0x8F2B, s0  }
0xc3: {  	[sflag:s0] =	ssyncadd.remote.s32 $0x1  }
0xc4: {  	_ =	sfence.sel $0xFFFF  }
0xc5: {  	[dreg:$0x0] =	wrdreg $0xFFFFFFFF;
	(pc) =	sbr.abs _section_cstart, $3  }
0xc6: {  	[dreg:$0x1] =	wrdreg $0xFFFFFFFF  }
0xc7: {  	_ =	task.clear_ibuf [dreg:s10], $0x2FFFF;
	_ =	strace $0x9FFFFFFF  }
0xc8: {  	(tm) =	ssettm $0x7FFFFFFF  }
0xc9: {  	_ =	shalt  }
tec
execute0_lowered:
.L_overlay_start_1:
0x0: {  	(tag) =	ssettag $0x1  }
0x1: {  	s0 =	rddreg [dreg:$0x0]  }
0x2: {  	s1 =	rddreg [dreg:$0x1]  }
0x3: {  	s2 =	rddreg [dreg:$0x3]  }
0x4: {  	s15 =	rddreg [dreg:$0x4]  }
0x5: {  	s3 =	srdreg.scid;
	s5 =	stileid.u32;
	s4 =	simm.s32 $0x0  }
0x6: {  	s20 =	simm.s32 $0xFE0;
	s28 =	simm.s32 $0x129C8;
	s29 =	simm.s32 $0x12DC8  }
0x7: {  	s30 =	simm.s32 $0x131C8;
	s31 =	simm.s32 $0x135C8;
	s17 =	simm.s32 $0x145C8  }
0x8: {  	s19 =	simm.s32 $0x149C8;
	s16 =	simm.s32 $0x0;
	s3 =	sand.u32 $0x1, s3  }
0x9: {  	s6 =	sshll.u32 s5, $0x1;
	[smem:$0x7FF] =	sst s4;
	s9 =	sadd.s32 $0x8000, s2  }
0xa: {  	s10 =	sadd.s32 $0xC000, s2;
	s11 =	sadd.s32 $0x10000, s2;
	s12 =	sadd.s32 $0x14000, s2  }
0xb: {  	s13 =	sadd.s32 $0x18000, s2;
	s14 =	sadd.s32 $0x1C000, s2;
	p0 =	sne.s32 s5, $0x0  }
0xc: {  	s5 =	simm.s32 $0x14DC8;
	s7 =	ssub.s32 $0x2, s3;
	s3 =	sor.u32 s3, s6  }
0xd: {  	_ =	strace $0x80000047;
	s24 =	sshrl.u32 s7, $0x1;
	s8 =	sshll.u32 s3, $0x6  }
0xe: {  	s6 =	ssub.s32 s7, s24;
	s0 =	sadd.s32 s0, s8;
	s25 =	sadd.s32 s1, s8  }
0xf: {  	s7 =	sshll.u32 s3, $0x2;
	s8 =	sadd.s32 $0x4000, s2;
	[dreg:$0x6] =	wrdreg s0  }
0x10: {  	s1 =	simm.s32 $0x13DC8;
	[dreg:$0x7] =	wrdreg s25;
	s26 =	smax.u32 s6, $0x1  }
0x11: {  	s3 =	simm.s32 $0x141C8;
	s0 =	sshrl.u32 @!p0 s15, $0x3;
	[dreg:$0x8] =	wrdreg s26  }
0x12: {  	s6 =	simm.s32 $0x1;
	[dreg:$0x9] =	wrdreg s0;
	s0 =	simm.s32 $0x139C8  }
.LBB2_1:
0x13: {  	[dreg:$0xa] =	wrdreg s16  }
0x14: {  	s16 =	rddreg [dreg:$0x2]  }
0x15: {  	s15 =	simm.s32 @!p0 $0x1C02;
	s18 =	rddreg [dreg:$0x9]  }
0x16: {  	[spmem:s18], [sflag:s15] =	dma.local @!p0 [hbm:s16], $0x1FBD  }
0x17: {  	s15 =	simm.s32 @!p0 $0x2  }
0x18: {  	_ =	swait.ge @!p0 [sflag:s15], $0x1FBD  }
0x19: {  	s22 =	simm.s32 $0x10DC8;
	[sflag:s15] =	ssyncset.done @!p0 $0x0  }
0x1a: {  	s23 =	simm.s32 $0x2;
	s21 =	rddreg [dreg:$0x6];
	[sflag:s15] =	ssyncadd.s32 @!p0 $0xFFFFE043  }
0x1b: {  	[tilespmem:s22], [sflag:$0x2] =	stream.linear.gather [hbm4b:s21+s4], $0x200, $0x38;
	[tilespmem:$0x151C8] =	vst v63  }
0x1c: {  	_ =	swait.ge [sflag:s23], $0x200  }
0x1d: {  	[sflag:s23] =	ssyncset.done $0x0  }
0x1e: {  	s25 =	simm.s32 $0x10FC8;
	s24 =	rddreg [dreg:$0x7];
	[sflag:s23] =	ssyncadd.s32 $0xFFFFFE00  }
0x1f: {  	[tilespmem:s25], [sflag:$0x2] =	stream.linear.gather [hbm4b:s24+s4], $0x200, $0x38;
	[tilespmem:$0x151C8] =	vst v63  }
0x20: {  	_ =	swait.ge [sflag:s23], $0x200  }
0x21: {  	[sflag:s23] =	ssyncset.done $0x0  }
0x22: {  	[sflag:s23] =	ssyncadd.s32 $0xFFFFFE00  }
0x23: {  	[bflag:$0x0] =	sbarrier.arrive $0xFFFF  }
0x24: {  	s26 =	rddreg [dreg:$0x4]  }
0x25: {  	[tilespmem:s20], [sflag:$0x2] =	stream.linear.gather [spmem:s26], $0xFDE8, $0x38;
	[tilespmem:$0x151C8] =	vst v63  }
0x26: {  	_ =	swait.ge [sflag:s23], $0xFDE8  }
0x27: {  	p3 =	por $0x1, $0x1;
	[sflag:s23] =	ssyncset.done $0x0  }
0x28: {  	p2 =	por $0x0, $0x0;
	s15 =	simm.s32 $0x0;
	[sflag:s23] =	ssyncadd.s32 $0xFFFF0218  }
.LBB2_2:
0x29: {  	s18 =	simm.s32 @p2 $0x1  }
0x2a: {  	_ =	swait.ge @p2 [sflag:s18], $0x400  }
0x2b: {  	[sflag:s18] =	ssyncset.done @p2 $0x0  }
0x2c: {  	[sflag:s18] =	ssyncadd.s32 @p2 $0xFFFFFC00  }
0x2d: {  	_ =	swait.ge @p2 [sflag:s18], $0x400  }
0x2e: {  	[sflag:s18] =	ssyncset.done @p2 $0x0  }
0x2f: {  	[sflag:s18] =	ssyncadd.s32 @p2 $0xFFFFFC00  }
0x30: {  	_ =	swait.ge @p2 [sflag:s18], $0x400  }
0x31: {  	[sflag:s18] =	ssyncset.done @p2 $0x0  }
0x32: {  	[sflag:s18] =	ssyncadd.s32 @p2 $0xFFFFFC00  }
0x33: {  	_ =	swait.ge @p2 [sflag:s18], $0x400  }
0x34: {  	[sflag:s18] =	ssyncset.done @p2 $0x0  }
0x35: {  	[sflag:s18] =	ssyncadd.s32 @p2 $0xFFFFFC00  }
0x36: {  	_ =	swait.ge @p2 [sflag:s18], $0x400  }
0x37: {  	[sflag:s18] =	ssyncset.done @p2 $0x0  }
0x38: {  	[sflag:s18] =	ssyncadd.s32 @p2 $0xFFFFFC00  }
0x39: {  	_ =	swait.ge @p2 [sflag:s18], $0x400  }
0x3a: {  	[sflag:s18] =	ssyncset.done @p2 $0x0  }
0x3b: {  	[sflag:s18] =	ssyncadd.s32 @p2 $0xFFFFFC00  }
0x3c: {  	_ =	swait.ge @p2 [sflag:s18], $0x400  }
0x3d: {  	[sflag:s18] =	ssyncset.done @p2 $0x0  }
0x3e: {  	[sflag:s18] =	ssyncadd.s32 @p2 $0xFFFFFC00  }
0x3f: {  	s16 =	sshll.u32 s15, $0x1;
	s26 =	sshll.u32 s15, $0x8;
	_ =	swait.ge @p2 [sflag:s18], $0x400  }
0x40: {  	p1 =	por p3, p3;
	s23 =	simm.s32 $0x113C8;
	[sflag:s18] =	ssyncset.done @p2 $0x0  }
0x41: {  	s21 =	simm.s32 $0x0;
	v0 =	vmov s26;
	[sflag:s18] =	ssyncadd.s32 @p2 $0xFFFFFC00;
	s18 =	simm.s32 $0x0  }
.LBB2_3:
0x42: {  	_ =	sdelay $0x2  }
0x43: {  	s15 =	sshll.u32 s21, $0x4  }
0x44: {  	v1 =	vld.idx.msk [tilespmem:v0+s15+$0x10DC8 ss:$0x1], $0xffff;
	_ =	sdelay $0x4  }
0x45: {  	v2 =	vmul.u32 $0x41, v1  }
0x46: {  	s22 =	simm.s32 $0x7  }
0x47: {  	s24 =	simm.s32 $0x1;
	v3 =	vadd.s32 s22, v2  }
0x48: {  	s25 =	simm.s32 $0x3;
	v4 =	vadd.s32 s24, v2  }
0x49: {  	s24 =	simm.s32 $0x2;
	v6 =	vadd.s32 s25, v2  }
0x4a: {  	s26 =	simm.s32 $0x4;
	v5 =	vadd.s32 s24, v2  }
0x4b: {  	v1 =	vld.idx.msk [tilespmem:v0+s15+$0x10FC8 ss:$0x1], $0xffff;
	v7 =	vadd.s32 s26, v2;
	s22 =	simm.s32 $0x5  }
0x4c: {  	s25 =	simm.s32 $0xF;
	v8 =	vadd.s32 s22, v2;
	v9 =	vld.idx.msk [tilespmem:v3+s20+$0x0], $0xffff  }
0x4d: {  	s24 =	simm.s32 $0x6;
	v11 =	vadd.s32 s25, v2;
	v10 =	vld.idx.msk [tilespmem:v4+s20+$0x0], $0xffff  }
0x4e: {  	v3 =	vadd.s32 s24, v2;
	v14 =	vld.idx.msk [tilespmem:v6+s20+$0x0], $0xffff  }
0x4f: {  	s26 =	simm.s32 $0x9;
	v4 =	vadd.s32 s18, v2;
	v5 =	vld.idx.msk [tilespmem:v5+s20+$0x0], $0xffff  }
0x50: {  	v15 =	vadd.s32 s26, v2;
	s24 =	simm.s32 $0xA;
	v16 =	vld.idx.msk [tilespmem:v7+s20+$0x0], $0xffff  }
0x51: {  	s25 =	simm.s32 $0xB;
	v7 =	vadd.s32 s24, v2;
	v8 =	vld.idx.msk [tilespmem:v8+s20+$0x0], $0xffff  }
0x52: {  	s26 =	simm.s32 $0xC;
	v13 =	vadd.s32 s25, v2;
	v6 =	vld.idx.msk [tilespmem:v11+s20+$0x0], $0xffff;
	v12 =	vmul.f32 v9, v1  }
0x53: {  	s24 =	simm.s32 $0xD;
	v3 =	vld.idx.msk [tilespmem:v3+s20+$0x0], $0xffff;
	v10 =	vmul.f32 v10, v1;
	v9 =	vadd.s32 s26, v2  }
0x54: {  	s25 =	simm.s32 $0xE;
	v4 =	vld.idx.msk [tilespmem:v4+s20+$0x0], $0xffff;
	v17 =	vmul.f32 v5, v1;
	[tilespmem:s23+$0x180] =	vst v12;
	v12 =	vadd.s32 s24, v2  }
0x55: {  	s15 =	smov.u32 s23;
	v11 =	vadd.s32 s25, v2;
	s26 =	simm.s32 $0x8;
	v14 =	vmul.f32 v14, v1;
	v5 =	vld.idx.msk [tilespmem:v15+s20+$0x0], $0xffff;
	[tilespmem:s23+$0xFFFFFE80] =	vst v10  }
0x56: {  	s22 =	simm.s32 $0x10;
	s25 =	simm.s32 $0x17;
	v7 =	vld.idx.msk [tilespmem:v7+s20+$0x0], $0xffff;
	v15 =	vmul.f32 v16, v1;
	s24 =	simm.s32 $0x18;
	v10 =	vadd.s32 s26, v2;
	[tilespmem:s23+$0xFFFFFF00] =	vst v17  }
.LBB2_4:
0x57: {  	p3 =	slt.u32 s24, $0x38;
	s26 =	sadd.s32 $0x1, s22;
	v16 =	vadd.s32 s25, v2;
	v17 =	vld.idx.msk [tilespmem:v13+s20+$0x0], $0xffff;
	[tilespmem:s15+$0xFFFFFF80] =	vst v14;
	v13 =	vmul.f32 v8, v1  }
0x58: {  	s25 =	sadd.s32 $0x2, s22;
	v14 =	vadd.s32 s26, v2;
	v18 =	vld.idx.msk [tilespmem:v9+s20+$0x0], $0xffff;
	[tilespmem:s15+$0x0] =	vst v15;
	v9 =	vmul.f32 v3, v1  }
0x59: {  	v15 =	vadd.s32 s25, v2;
	s25 =	sadd.s32 $0x3, s22;
	v8 =	vld.idx.msk [tilespmem:v12+s20+$0x0], $0xffff;
	v12 =	vmul.f32 v4, v1;
	[tilespmem:s15+$0x80] =	vst v13  }
.Ltmp0:
0x5a: {  	v13 =	vadd.s32 s25, v2;
	s25 =	sadd.s32 $0x4, s22;
	v3 =	vld.idx.msk [tilespmem:v11+s20+$0x0], $0xffff;
	v11 =	vmul.f32 v6, v1;
	[tilespmem:s15+$0x100] =	vst v9;
	(pc) =	sbr.rel @p3 .LBB2_4-.Ltmp0, $4  }
0x5b: {  	v9 =	vadd.s32 s25, v2;
	s25 =	sadd.s32 $0x5, s22;
	v4 =	vld.idx.msk [tilespmem:v10+s20+$0x0], $0xffff;
	v10 =	vmul.f32 v5, v1;
	[tilespmem:s15+$0xFFFFFE00] =	vst v12;
	s15 =	sadd.s32 $0x400, s15  }
0x5c: {  	v12 =	vadd.s32 s25, v2;
	s25 =	sadd.s32 $0x6, s22;
	v6 =	vld.idx.msk [tilespmem:v16+s20+$0x0], $0xffff;
	v16 =	vmul.f32 v7, v1;
	[tilespmem:s15+$0x180] =	vst v11  }
0x5d: {  	v11 =	vadd.s32 s25, v2;
	v5 =	vld.idx.msk [tilespmem:v14+s20+$0x0], $0xffff;
	[tilespmem:s15+$0xFFFFFE80] =	vst v10;
	v14 =	vmul.f32 v17, v1  }
0x5e: {  	s25 =	sadd.s32 $0x7, s24;
	v10 =	vadd.s32 s22, v2;
	s22 =	smov.u32 s24;
	s24 =	sadd.s32 $0x8, s24;
	v7 =	vld.idx.msk [tilespmem:v15+s20+$0x0], $0xffff;
	[tilespmem:s15+$0xFFFFFF00] =	vst v16;
	v15 =	vmul.f32 v18, v1  }
0x5f: {  	_ =	sdelay $0x2  }
0x60: {  	[tilespmem:s15+$0xFFFFFF80] =	vst v14;
	v8 =	vmul.f32 v8, v1  }
0x61: {  	s24 =	sadd.s32 $0x1, s22;
	v47 =	vadd.s32 s25, v2;
	v13 =	vld.idx.msk [tilespmem:v13+s20+$0x0], $0xffff;
	v3 =	vmul.f32 v3, v1;
	[tilespmem:s15+$0x0] =	vst v15  }
0x62: {  	s26 =	sadd.s32 $0x2, s22;
	v9 =	vld.idx.msk [tilespmem:v9+s20+$0x0], $0xffff;
	v48 =	vadd.s32 s24, v2;
	v4 =	vmul.f32 v4, v1;
	[tilespmem:s15+$0x80] =	vst v8  }
0x63: {  	s25 =	sadd.s32 $0x3, s22;
	v12 =	vld.idx.msk [tilespmem:v12+s20+$0x0], $0xffff;
	v49 =	vadd.s32 s26, v2;
	v6 =	vmul.f32 v6, v1;
	[tilespmem:s15+$0x100] =	vst v3  }
0x64: {  	v11 =	vld.idx.msk [tilespmem:v11+s20+$0x0], $0xffff;
	s26 =	sadd.s32 $0x4, s22;
	v3 =	vadd.s32 s25, v2;
	v5 =	vmul.f32 v5, v1;
	[tilespmem:s15+$0xFFFFFE00] =	vst v4;
	s15 =	sadd.s32 $0x400, s15  }
0x65: {  	v10 =	vld.idx.msk [tilespmem:v10+s20+$0x0], $0xffff;
	v50 =	vadd.s32 s26, v2;
	s26 =	sadd.s32 $0x6, s22;
	v7 =	vmul.f32 v7, v1;
	[tilespmem:s15+$0x180] =	vst v6  }
0x66: {  	s25 =	sadd.s32 $0x5, s22;
	v54 =	vadd.s32 s26, v2;
	v14 =	vld.idx.msk [tilespmem:v47+s20+$0x0], $0xffff;
	[tilespmem:s15+$0xFFFFFE80] =	vst v5;
	v52 =	vmul.f32 v13, v1  }
0x67: {  	v51 =	vadd.s32 s25, v2;
	v55 =	vmul.f32 v9, v1;
	v53 =	vld.idx.msk [tilespmem:v48+s20+$0x0], $0xffff;
	[tilespmem:s15+$0xFFFFFF00] =	vst v7  }
0x68: {  	v2 =	vadd.s32 s22, v2;
	v56 =	vmul.f32 v12, v1;
	v8 =	vld.idx.msk [tilespmem:v49+s20+$0x0], $0xffff;
	[tilespmem:s15+$0xFFFFFF80] =	vst v52  }
0x69: {  	v57 =	vmul.f32 v11, v1;
	v3 =	vld.idx.msk [tilespmem:v3+s20+$0x0], $0xffff;
	[tilespmem:s15+$0x0] =	vst v55  }
0x6a: {  	v58 =	vmul.f32 v10, v1;
	v4 =	vld.idx.msk [tilespmem:v50+s20+$0x0], $0xffff;
	[tilespmem:s15+$0x80] =	vst v56  }
0x6b: {  	[tilespmem:s15+$0x100] =	vst v57;
	v61 =	vld.idx.msk [tilespmem:v54+s20+$0x0], $0xffff;
	v60 =	vmul.f32 v14, v1  }
0x6c: {  	[tilespmem:s15+$0xFFFFFE00] =	vst v58;
	s15 =	sadd.s32 $0x400, s15;
	v59 =	vld.idx.msk [tilespmem:v51+s20+$0x0], $0xffff;
	v62 =	vmul.f32 v53, v1  }
0x6d: {  	v2 =	vld.idx.msk [tilespmem:v2+s20+$0x0], $0xffff;
	v8 =	vmul.f32 v8, v1;
	[tilespmem:s15+$0x180] =	vst v60  }
0x6e: {  	s21 =	sadd.s32 $0x1, s21;
	v3 =	vmul.f32 v3, v1;
	[tilespmem:s15+$0xFFFFFE80] =	vst v62  }
0x6f: {  	p3 =	sne.s32 s21, $0x8;
	v4 =	vmul.f32 v4, v1;
	[tilespmem:s15+$0xFFFFFF00] =	vst v8  }
.Ltmp1:
0x70: {  	v63 =	vmul.f32 v61, v1;
	[tilespmem:s15+$0xFFFFFF80] =	vst v3;
	(pc) =	sbr.rel @p3 .LBB2_3-.Ltmp1, $4  }
0x71: {  	v3 =	vmul.f32 v59, v1;
	[tilespmem:s15+$0x0] =	vst v4  }
0x72: {  	v1 =	vmul.f32 v2, v1;
	[tilespmem:s15+$0x100] =	vst v63  }
0x73: {  	[tilespmem:s15+$0x80] =	vst v3  }
0x74: {  	s23 =	sadd.s32 $0x10, s23;
	[tilespmem:s15+$0xFFFFFE00] =	vst v1  }
0x75: {  	s15 =	sor.u32 s7, s16  }
0x76: {  	s15 =	sshll.u32 s15, $0x7  }
0x77: {  	s21 =	simm.s32 $0x111C8;
	s18 =	sadd.s32 s2, s15  }
0x78: {  	[hbm4b:s18+s4] =	stream.linear.scatter [tilespmem:s21], [sflag:$0x1], $0x400, $0x38;
	[tilespmem:$0x151C8] =	vst v63  }
0x79: {  	s22 =	simm.s32 $0x115C8;
	s21 =	sadd.s32 s15, s8  }
0x7a: {  	[hbm4b:s21+s4] =	stream.linear.scatter [tilespmem:s22], [sflag:$0x1], $0x400, $0x38;
	[tilespmem:$0x151C8] =	vst v63  }
0x7b: {  	s24 =	simm.s32 $0x119C8;
	s23 =	sadd.s32 s15, s9  }
0x7c: {  	[hbm4b:s23+s4] =	stream.linear.scatter [tilespmem:s24], [sflag:$0x1], $0x400, $0x38;
	[tilespmem:$0x151C8] =	vst v63  }
0x7d: {  	s26 =	simm.s32 $0x11DC8;
	s25 =	sadd.s32 s15, s10  }
0x7e: {  	[hbm4b:s25+s4] =	stream.linear.scatter [tilespmem:s26], [sflag:$0x1], $0x400, $0x38;
	[tilespmem:$0x151C8] =	vst v63  }
0x7f: {  	s21 =	sadd.s32 s15, s11;
	s22 =	simm.s32 $0x121C8  }
0x80: {  	[hbm4b:s21+s4] =	stream.linear.scatter [tilespmem:s22], [sflag:$0x1], $0x400, $0x38;
	[tilespmem:$0x151C8] =	vst v63  }
0x81: {  	s23 =	sadd.s32 s15, s12;
	s24 =	simm.s32 $0x125C8  }
0x82: {  	[hbm4b:s23+s4] =	stream.linear.scatter [tilespmem:s24], [sflag:$0x1], $0x400, $0x38;
	[tilespmem:$0x151C8] =	vst v63  }
0x83: {  	s25 =	sadd.s32 s15, s13  }
0x84: {  	[hbm4b:s25+s4] =	stream.linear.scatter [tilespmem:s28], [sflag:$0x1], $0x400, $0x38;
	[tilespmem:$0x151C8] =	vst v63  }
0x85: {  	s15 =	sadd.s32 s15, s14  }
0x86: {  	[hbm4b:s15+s4] =	stream.linear.scatter [tilespmem:s29], [sflag:$0x1], $0x400, $0x38;
	[tilespmem:$0x151C8] =	vst v63  }
0x87: {  	s15 =	simm.s32 @p2 $0x1  }
0x88: {  	_ =	swait.ge @p2 [sflag:s15], $0x400  }
0x89: {  	[sflag:s15] =	ssyncset.done @p2 $0x0  }
0x8a: {  	[sflag:s15] =	ssyncadd.s32 @p2 $0xFFFFFC00  }
0x8b: {  	_ =	swait.ge @p2 [sflag:s15], $0x400  }
0x8c: {  	[sflag:s15] =	ssyncset.done @p2 $0x0  }
0x8d: {  	[sflag:s15] =	ssyncadd.s32 @p2 $0xFFFFFC00  }
0x8e: {  	_ =	swait.ge @p2 [sflag:s15], $0x400  }
0x8f: {  	[sflag:s15] =	ssyncset.done @p2 $0x0  }
0x90: {  	[sflag:s15] =	ssyncadd.s32 @p2 $0xFFFFFC00  }
0x91: {  	_ =	swait.ge @p2 [sflag:s15], $0x400  }
0x92: {  	[sflag:s15] =	ssyncset.done @p2 $0x0  }
0x93: {  	[sflag:s15] =	ssyncadd.s32 @p2 $0xFFFFFC00  }
0x94: {  	_ =	swait.ge @p2 [sflag:s15], $0x400  }
0x95: {  	[sflag:s15] =	ssyncset.done @p2 $0x0  }
0x96: {  	[sflag:s15] =	ssyncadd.s32 @p2 $0xFFFFFC00  }
0x97: {  	_ =	swait.ge @p2 [sflag:s15], $0x400  }
0x98: {  	[sflag:s15] =	ssyncset.done @p2 $0x0  }
0x99: {  	[sflag:s15] =	ssyncadd.s32 @p2 $0xFFFFFC00  }
0x9a: {  	_ =	swait.ge @p2 [sflag:s15], $0x400  }
0x9b: {  	[sflag:s15] =	ssyncset.done @p2 $0x0  }
0x9c: {  	[sflag:s15] =	ssyncadd.s32 @p2 $0xFFFFFC00  }
0x9d: {  	s16 =	sor.u32 $0x1, s16;
	_ =	swait.ge @p2 [sflag:s15], $0x400  }
0x9e: {  	s18 =	simm.s32 $0x0;
	s26 =	sshll.u32 s16, $0x7;
	[sflag:s15] =	ssyncset.done @p2 $0x0  }
0x9f: {  	v0 =	vmov s26;
	s21 =	simm.s32 $0x0;
	[sflag:s15] =	ssyncadd.s32 @p2 $0xFFFFFC00;
	s15 =	simm.s32 $0x133C8  }
.LBB2_7:
0xa0: {  	_ =	sdelay $0x2  }
0xa1: {  	s22 =	sshll.u32 s21, $0x4  }
0xa2: {  	v1 =	vld.idx.msk [tilespmem:v0+s22+$0x10DC8 ss:$0x1], $0xffff;
	_ =	sdelay $0x4  }
0xa3: {  	v2 =	vmul.u32 $0x41, v1  }
0xa4: {  	s23 =	simm.s32 $0x7  }
0xa5: {  	s24 =	simm.s32 $0x1;
	v3 =	vadd.s32 s23, v2  }
0xa6: {  	s25 =	simm.s32 $0x3;
	v4 =	vadd.s32 s24, v2  }
0xa7: {  	s24 =	simm.s32 $0x2;
	v6 =	vadd.s32 s25, v2  }
0xa8: {  	s26 =	simm.s32 $0x4;
	v5 =	vadd.s32 s24, v2  }
0xa9: {  	v1 =	vld.idx.msk [tilespmem:v0+s22+$0x10FC8 ss:$0x1], $0xffff;
	v7 =	vadd.s32 s26, v2;
	s23 =	simm.s32 $0x5  }
0xaa: {  	s25 =	simm.s32 $0xF;
	v8 =	vadd.s32 s23, v2;
	v9 =	vld.idx.msk [tilespmem:v3+s20+$0x0], $0xffff  }
0xab: {  	s24 =	simm.s32 $0x6;
	v11 =	vadd.s32 s25, v2;
	v10 =	vld.idx.msk [tilespmem:v4+s20+$0x0], $0xffff  }
0xac: {  	v3 =	vadd.s32 s24, v2;
	v14 =	vld.idx.msk [tilespmem:v6+s20+$0x0], $0xffff  }
0xad: {  	s26 =	simm.s32 $0x9;
	v4 =	vadd.s32 s18, v2;
	v5 =	vld.idx.msk [tilespmem:v5+s20+$0x0], $0xffff  }
0xae: {  	v15 =	vadd.s32 s26, v2;
	s24 =	simm.s32 $0xA;
	v16 =	vld.idx.msk [tilespmem:v7+s20+$0x0], $0xffff  }
0xaf: {  	s25 =	simm.s32 $0xB;
	v7 =	vadd.s32 s24, v2;
	v8 =	vld.idx.msk [tilespmem:v8+s20+$0x0], $0xffff  }
0xb0: {  	s26 =	simm.s32 $0xC;
	v13 =	vadd.s32 s25, v2;
	v6 =	vld.idx.msk [tilespmem:v11+s20+$0x0], $0xffff;
	v12 =	vmul.f32 v9, v1  }
0xb1: {  	s24 =	simm.s32 $0xD;
	v3 =	vld.idx.msk [tilespmem:v3+s20+$0x0], $0xffff;
	v10 =	vmul.f32 v10, v1;
	v9 =	vadd.s32 s26, v2  }
0xb2: {  	s25 =	simm.s32 $0xE;
	v4 =	vld.idx.msk [tilespmem:v4+s20+$0x0], $0xffff;
	v17 =	vmul.f32 v5, v1;
	[tilespmem:s15+$0x180] =	vst v12;
	v12 =	vadd.s32 s24, v2  }
0xb3: {  	s22 =	simm.s32 $0x10;
	v11 =	vadd.s32 s25, v2;
	s26 =	simm.s32 $0x8;
	v14 =	vmul.f32 v14, v1;
	v5 =	vld.idx.msk [tilespmem:v15+s20+$0x0], $0xffff;
	[tilespmem:s15+$0xFFFFFE80] =	vst v10  }
0xb4: {  	s23 =	smov.u32 s15;
	s25 =	simm.s32 $0x17;
	v7 =	vld.idx.msk [tilespmem:v7+s20+$0x0], $0xffff;
	v15 =	vmul.f32 v16, v1;
	s24 =	simm.s32 $0x18;
	v10 =	vadd.s32 s26, v2;
	[tilespmem:s15+$0xFFFFFF00] =	vst v17  }
.LBB2_8:
0xb5: {  	p2 =	slt.u32 s24, $0x38;
	s26 =	sadd.s32 $0x1, s22;
	v16 =	vadd.s32 s25, v2;
	v17 =	vld.idx.msk [tilespmem:v13+s20+$0x0], $0xffff;
	[tilespmem:s23+$0xFFFFFF80] =	vst v14;
	v13 =	vmul.f32 v8, v1  }
0xb6: {  	s25 =	sadd.s32 $0x2, s22;
	v14 =	vadd.s32 s26, v2;
	v18 =	vld.idx.msk [tilespmem:v9+s20+$0x0], $0xffff;
	[tilespmem:s23+$0x0] =	vst v15;
	v9 =	vmul.f32 v3, v1  }
0xb7: {  	v15 =	vadd.s32 s25, v2;
	s25 =	sadd.s32 $0x3, s22;
	v8 =	vld.idx.msk [tilespmem:v12+s20+$0x0], $0xffff;
	v12 =	vmul.f32 v4, v1;
	[tilespmem:s23+$0x80] =	vst v13  }
.Ltmp2:
0xb8: {  	v13 =	vadd.s32 s25, v2;
	s25 =	sadd.s32 $0x4, s22;
	v3 =	vld.idx.msk [tilespmem:v11+s20+$0x0], $0xffff;
	v11 =	vmul.f32 v6, v1;
	[tilespmem:s23+$0x100] =	vst v9;
	(pc) =	sbr.rel @p2 .LBB2_8-.Ltmp2, $4  }
0xb9: {  	v9 =	vadd.s32 s25, v2;
	s25 =	sadd.s32 $0x5, s22;
	v4 =	vld.idx.msk [tilespmem:v10+s20+$0x0], $0xffff;
	v10 =	vmul.f32 v5, v1;
	[tilespmem:s23+$0xFFFFFE00] =	vst v12;
	s23 =	sadd.s32 $0x400, s23  }
0xba: {  	v12 =	vadd.s32 s25, v2;
	s25 =	sadd.s32 $0x6, s22;
	v6 =	vld.idx.msk [tilespmem:v16+s20+$0x0], $0xffff;
	v16 =	vmul.f32 v7, v1;
	[tilespmem:s23+$0x180] =	vst v11  }
0xbb: {  	v11 =	vadd.s32 s25, v2;
	v5 =	vld.idx.msk [tilespmem:v14+s20+$0x0], $0xffff;
	[tilespmem:s23+$0xFFFFFE80] =	vst v10;
	v14 =	vmul.f32 v17, v1  }
0xbc: {  	s25 =	sadd.s32 $0x7, s24;
	v10 =	vadd.s32 s22, v2;
	s22 =	smov.u32 s24;
	s24 =	sadd.s32 $0x8, s24;
	v7 =	vld.idx.msk [tilespmem:v15+s20+$0x0], $0xffff;
	[tilespmem:s23+$0xFFFFFF00] =	vst v16;
	v15 =	vmul.f32 v18, v1  }
0xbd: {  	_ =	sdelay $0x2  }
0xbe: {  	[tilespmem:s23+$0xFFFFFF80] =	vst v14;
	v8 =	vmul.f32 v8, v1  }
0xbf: {  	s24 =	sadd.s32 $0x1, s22;
	v47 =	vadd.s32 s25, v2;
	v13 =	vld.idx.msk [tilespmem:v13+s20+$0x0], $0xffff;
	v3 =	vmul.f32 v3, v1;
	[tilespmem:s23+$0x0] =	vst v15  }
0xc0: {  	s25 =	sadd.s32 $0x2, s22;
	v9 =	vld.idx.msk [tilespmem:v9+s20+$0x0], $0xffff;
	v48 =	vadd.s32 s24, v2;
	v4 =	vmul.f32 v4, v1;
	[tilespmem:s23+$0x80] =	vst v8  }
0xc1: {  	s26 =	sadd.s32 $0x3, s22;
	v12 =	vld.idx.msk [tilespmem:v12+s20+$0x0], $0xffff;
	v49 =	vadd.s32 s25, v2;
	v6 =	vmul.f32 v6, v1;
	[tilespmem:s23+$0x100] =	vst v3  }
0xc2: {  	v11 =	vld.idx.msk [tilespmem:v11+s20+$0x0], $0xffff;
	s25 =	sadd.s32 $0x4, s22;
	v3 =	vadd.s32 s26, v2;
	v5 =	vmul.f32 v5, v1;
	[tilespmem:s23+$0xFFFFFE00] =	vst v4;
	s23 =	sadd.s32 $0x400, s23  }
0xc3: {  	v10 =	vld.idx.msk [tilespmem:v10+s20+$0x0], $0xffff;
	v50 =	vadd.s32 s25, v2;
	s25 =	sadd.s32 $0x6, s22;
	v7 =	vmul.f32 v7, v1;
	[tilespmem:s23+$0x180] =	vst v6  }
0xc4: {  	s26 =	sadd.s32 $0x5, s22;
	v54 =	vadd.s32 s25, v2;
	v14 =	vld.idx.msk [tilespmem:v47+s20+$0x0], $0xffff;
	[tilespmem:s23+$0xFFFFFE80] =	vst v5;
	v52 =	vmul.f32 v13, v1  }
0xc5: {  	v51 =	vadd.s32 s26, v2;
	v55 =	vmul.f32 v9, v1;
	v53 =	vld.idx.msk [tilespmem:v48+s20+$0x0], $0xffff;
	[tilespmem:s23+$0xFFFFFF00] =	vst v7  }
0xc6: {  	v2 =	vadd.s32 s22, v2;
	v56 =	vmul.f32 v12, v1;
	v8 =	vld.idx.msk [tilespmem:v49+s20+$0x0], $0xffff;
	[tilespmem:s23+$0xFFFFFF80] =	vst v52  }
0xc7: {  	v57 =	vmul.f32 v11, v1;
	v3 =	vld.idx.msk [tilespmem:v3+s20+$0x0], $0xffff;
	[tilespmem:s23+$0x0] =	vst v55  }
0xc8: {  	v58 =	vmul.f32 v10, v1;
	v4 =	vld.idx.msk [tilespmem:v50+s20+$0x0], $0xffff;
	[tilespmem:s23+$0x80] =	vst v56  }
0xc9: {  	[tilespmem:s23+$0x100] =	vst v57;
	v61 =	vld.idx.msk [tilespmem:v54+s20+$0x0], $0xffff;
	v60 =	vmul.f32 v14, v1  }
0xca: {  	s26 =	sadd.s32 $0x400, s23;
	[tilespmem:s23+$0xFFFFFE00] =	vst v58;
	v59 =	vld.idx.msk [tilespmem:v51+s20+$0x0], $0xffff;
	v62 =	vmul.f32 v53, v1  }
0xcb: {  	v2 =	vld.idx.msk [tilespmem:v2+s20+$0x0], $0xffff;
	v8 =	vmul.f32 v8, v1;
	[tilespmem:s26+$0x180] =	vst v60  }
0xcc: {  	s21 =	sadd.s32 $0x1, s21;
	v3 =	vmul.f32 v3, v1;
	[tilespmem:s26+$0xFFFFFE80] =	vst v62  }
0xcd: {  	p2 =	sne.s32 s21, $0x8;
	v4 =	vmul.f32 v4, v1;
	[tilespmem:s26+$0xFFFFFF00] =	vst v8  }
.Ltmp3:
0xce: {  	v63 =	vmul.f32 v61, v1;
	[tilespmem:s26+$0xFFFFFF80] =	vst v3;
	(pc) =	sbr.rel @p2 .LBB2_7-.Ltmp3, $4  }
0xcf: {  	v3 =	vmul.f32 v59, v1;
	[tilespmem:s26+$0x0] =	vst v4  }
0xd0: {  	v1 =	vmul.f32 v2, v1;
	[tilespmem:s26+$0x100] =	vst v63  }
0xd1: {  	[tilespmem:s26+$0x80] =	vst v3  }
0xd2: {  	s15 =	sadd.s32 $0x10, s15;
	[tilespmem:s26+$0xFFFFFE00] =	vst v1  }
0xd3: {  	s15 =	sor.u32 s7, s16  }
0xd4: {  	s15 =	sshll.u32 s15, $0x7  }
0xd5: {  	s18 =	sand.u32 $0x1FFFFF80, s15  }
0xd6: {  	s16 =	sadd.s32 s2, s18  }
0xd7: {  	[hbm4b:s16+s4] =	stream.linear.scatter [tilespmem:s30], [sflag:$0x1], $0x400, $0x38;
	[tilespmem:$0x151C8] =	vst v63  }
0xd8: {  	s21 =	sadd.s32 s15, s8  }
0xd9: {  	[hbm4b:s21+s4] =	stream.linear.scatter [tilespmem:s31], [sflag:$0x1], $0x400, $0x38;
	[tilespmem:$0x151C8] =	vst v63  }
0xda: {  	s22 =	sadd.s32 s15, s9  }
0xdb: {  	[hbm4b:s22+s4] =	stream.linear.scatter [tilespmem:s0], [sflag:$0x1], $0x400, $0x38;
	[tilespmem:$0x151C8] =	vst v63  }
0xdc: {  	s23 =	sadd.s32 s15, s10  }
0xdd: {  	[hbm4b:s23+s4] =	stream.linear.scatter [tilespmem:s1], [sflag:$0x1], $0x400, $0x38;
	[tilespmem:$0x151C8] =	vst v63  }
0xde: {  	s24 =	sadd.s32 s15, s11  }
0xdf: {  	[hbm4b:s24+s4] =	stream.linear.scatter [tilespmem:s3], [sflag:$0x1], $0x400, $0x38;
	[tilespmem:$0x151C8] =	vst v63  }
0xe0: {  	s25 =	sadd.s32 s15, s12  }
0xe1: {  	[hbm4b:s25+s4] =	stream.linear.scatter [tilespmem:s17], [sflag:$0x1], $0x400, $0x38;
	[tilespmem:$0x151C8] =	vst v63  }
.Ltmp4:
0xe2: {  	s26 =	sadd.s32 s15, s13;
	(pc) =	sbr.rel @p1 .LBB2_2-.Ltmp4, $4  }
0xe3: {  	[hbm4b:s26+s4] =	stream.linear.scatter [tilespmem:s19], [sflag:$0x1], $0x400, $0x38;
	[tilespmem:$0x151C8] =	vst v63  }
0xe4: {  	s15 =	sadd.s32 s15, s14  }
0xe5: {  	[hbm4b:s15+s4] =	stream.linear.scatter [tilespmem:s5], [sflag:$0x1], $0x400, $0x38;
	[tilespmem:$0x151C8] =	vst v63  }
0xe6: {  	p3 =	por $0x0, $0x0;
	p2 =	por $0x1, $0x1;
	s15 =	simm.s32 $0x1  }
0xe7: {  	_ =	swait.ge [sflag:s6], $0x400  }
0xe8: {  	[sflag:s6] =	ssyncset.done $0x0  }
0xe9: {  	[sflag:s6] =	ssyncadd.s32 $0xFFFFFC00  }
0xea: {  	_ =	swait.ge [sflag:s6], $0x400  }
0xeb: {  	[sflag:s6] =	ssyncset.done $0x0  }
0xec: {  	[sflag:s6] =	ssyncadd.s32 $0xFFFFFC00  }
0xed: {  	_ =	swait.ge [sflag:s6], $0x400  }
0xee: {  	[sflag:s6] =	ssyncset.done $0x0  }
0xef: {  	[sflag:s6] =	ssyncadd.s32 $0xFFFFFC00  }
0xf0: {  	_ =	swait.ge [sflag:s6], $0x400  }
0xf1: {  	[sflag:s6] =	ssyncset.done $0x0  }
0xf2: {  	[sflag:s6] =	ssyncadd.s32 $0xFFFFFC00  }
0xf3: {  	_ =	swait.ge [sflag:s6], $0x400  }
0xf4: {  	[sflag:s6] =	ssyncset.done $0x0  }
0xf5: {  	[sflag:s6] =	ssyncadd.s32 $0xFFFFFC00  }
0xf6: {  	_ =	swait.ge [sflag:s6], $0x400  }
0xf7: {  	[sflag:s6] =	ssyncset.done $0x0  }
0xf8: {  	[sflag:s6] =	ssyncadd.s32 $0xFFFFFC00  }
0xf9: {  	_ =	swait.ge [sflag:s6], $0x400  }
0xfa: {  	[sflag:s6] =	ssyncset.done $0x0  }
0xfb: {  	[sflag:s6] =	ssyncadd.s32 $0xFFFFFC00  }
0xfc: {  	_ =	swait.ge [sflag:s6], $0x400  }
0xfd: {  	[sflag:s6] =	ssyncset.done $0x0  }
0xfe: {  	[sflag:s6] =	ssyncadd.s32 $0xFFFFFC00  }
0xff: {  	_ =	swait.ge [sflag:s6], $0x400  }
0x100: {  	[sflag:s6] =	ssyncset.done $0x0  }
0x101: {  	[sflag:s6] =	ssyncadd.s32 $0xFFFFFC00  }
0x102: {  	_ =	swait.ge [sflag:s6], $0x400  }
0x103: {  	[sflag:s6] =	ssyncset.done $0x0  }
0x104: {  	[sflag:s6] =	ssyncadd.s32 $0xFFFFFC00  }
0x105: {  	_ =	swait.ge [sflag:s6], $0x400  }
0x106: {  	[sflag:s6] =	ssyncset.done $0x0  }
0x107: {  	[sflag:s6] =	ssyncadd.s32 $0xFFFFFC00  }
0x108: {  	_ =	swait.ge [sflag:s6], $0x400  }
0x109: {  	[sflag:s6] =	ssyncset.done $0x0  }
0x10a: {  	[sflag:s6] =	ssyncadd.s32 $0xFFFFFC00  }
0x10b: {  	_ =	swait.ge [sflag:s6], $0x400  }
0x10c: {  	[sflag:s6] =	ssyncset.done $0x0  }
0x10d: {  	[sflag:s6] =	ssyncadd.s32 $0xFFFFFC00  }
0x10e: {  	_ =	swait.ge [sflag:s6], $0x400  }
0x10f: {  	[sflag:s6] =	ssyncset.done $0x0  }
0x110: {  	[sflag:s6] =	ssyncadd.s32 $0xFFFFFC00  }
0x111: {  	_ =	swait.ge [sflag:s6], $0x400  }
0x112: {  	[sflag:s6] =	ssyncset.done $0x0  }
0x113: {  	[sflag:s6] =	ssyncadd.s32 $0xFFFFFC00  }
0x114: {  	_ =	swait.ge [sflag:s6], $0x400  }
0x115: {  	s16 =	rddreg [dreg:$0xa]  }
0x116: {  	s15 =	rddreg [dreg:$0x8];
	s16 =	sadd.s32 $0x1, s16  }
0x117: {  	p1 =	sne.s32 s16, s15  }
.Ltmp5:
0x118: {  	_ = 	snop;
	(pc) =	sbr.rel @p1 .LBB2_1-.Ltmp5, $3  }
0x119: {  	_ =	sdelay $0x1  }
0x11a: {  	[sflag:s6] =	ssyncset.done $0x0  }
0x11b: {  	[sflag:s6] =	ssyncadd.s32 $0xFFFFFC00  }
0x11c: {  	_ =	sfence.sel $0x180000  }
0x11d: {  	[bflag:$0x0] =	sbarrier.arrive $0xFFFF  }
0x11e: {  	_ =	strace $0x90000047  }
0x11f: {  	[bflag:$0x2] =	sbarrier.arrive $0xFFFF  }
0x120: {  	s0 =	rddreg [dreg:$0x5]  }
0x121: {  	s0 =	sadd.s32 @!p0 $0x100000, s0  }
0x122: {  	[sflag:s0] =	ssyncadd.tile.s32 @!p0 $0x1;
	_ =	shalt  }
.Lfunc_end2:
_tile_overlayer_lowered:
.L_overlay_start_2:
0x123: {  	(tag) =	ssettag $0x2  }
0x124: {  	s0 =	rddreg [dreg:$0x0];
	s2 =	stileid.u32  }
0x125: {  	s1 =	rddreg [dreg:$0x1];
	p0 =	sne.s32 s2, $0x0  }
0x126: {  	s3 =	rddreg [dreg:$0x2];
	[bflag:$0x3] =	sbarrier.arrive $0xFFFF;
	s2 =	simm.s32 @!p0 $0x1C02  }
0x127: {  	[timem:s3], [sflag:s2] =	dma.local @!p0 [hbm:s0], s1  }
0x128: {  	s0 =	simm.s32 @!p0 $0x2  }
0x129: {  	_ =	swait.ge @!p0 [sflag:s0], s1  }
0x12a: {  	s1 =	ssub.s32 @!p0 $0x0, s1;
	[sflag:s0] =	ssyncset.done @!p0 $0x0  }
0x12b: {  	[sflag:s0] =	ssyncadd.s32 @!p0 s1  }
0x12c: {  	[bflag:$0x3] =	sbarrier.arrive $0xFFFF  }
0x12d: {  	_ =	shalt  }

</sc_bundles>
